<compile_context>
chip_gen: v7x
topology: tpu7x:2x2x1
jax: 0.10.2.dev20260603
libtpu: 0.0.44.dev20260713+nightly
codegen_flags: <defaults>
</compile_context>

<pallas_src>
import functools
import math

import jax
import jax.numpy as jnp
from jax import lax
from jax.experimental import pallas as pl
from jax.experimental.pallas import tpu as pltpu
from jax.experimental.pallas import tpu_sc as plsc

D = 256
KE = 128
NH = 4
HD = D // NH
TN = 1024
NPART = 4


def _build_wt(p):
    r, i, j, k = p['r'], p['i'], p['j'], p['k']
    W = jnp.concatenate([
        jnp.concatenate([r, -i, -j, -k], 1),
        jnp.concatenate([i, r, -k, j], 1),
        jnp.concatenate([j, k, r, -i], 1),
        jnp.concatenate([k, -j, i, r], 1),
    ], 0)
    return W.T, p['b'].reshape(1, -1)



def _bs_tau(kref, nv):
    def outer(_, carry):
        lo, hi = carry
        mid = (lo & hi) + ((lo ^ hi) >> 1)

        def inner(i, acc):
            for u in range(4):
                kv = kref[pl.ds(i * 64 + u * 16, 16)]
                acc = acc + jnp.where(kv >= mid, 1, 0).astype(jnp.int32)
            return acc

        accv = lax.fori_loop(0, nv // 4, inner, jnp.zeros((16,), jnp.int32))
        ge = jnp.sum(accv) >= KE
        return (jnp.where(ge, mid, lo), jnp.where(ge, hi, mid))

    lo, _ = lax.fori_loop(0, 32, outer,
                          (jnp.int32(-2**31), jnp.int32(2**31 - 1)))
    return lo


def _count_gt(kref, nv, tau):
    def inner(i, acc):
        for u in range(4):
            kv = kref[pl.ds(i * 64 + u * 16, 16)]
            acc = acc + jnp.where(kv > tau, 1, 0).astype(jnp.int32)
        return acc

    return jnp.sum(lax.fori_loop(0, nv // 4, inner,
                                 jnp.zeros((16,), jnp.int32)))


def _compact(kref, nv, tau, r_need, write_fn):
    def body(i, carry):
        nsel, eqseen = carry
        kv = kref[pl.ds(i * 16, 16)]
        gt = kv > tau
        eq = kv == tau
        eqi = jnp.where(eq, 1, 0).astype(jnp.int32)
        eqpos = eqseen + plsc.cumsum(eqi) - eqi
        sel = gt | (eq & (eqpos < r_need))
        seli = jnp.where(sel, 1, 0).astype(jnp.int32)
        slot = nsel + plsc.cumsum(seli) - seli
        write_fn(i, slot, sel)
        return (nsel + jnp.sum(seli), eqseen + jnp.sum(eqi))

    lax.fori_loop(0, nv, body, (jnp.int32(0), jnp.int32(0)))


def _sc_select(spike_f, mask_f, t_f, var_f, B, N):
    nloc = N // NPART
    ncand = NPART * KE
    mesh = plsc.VectorSubcoreMesh(core_axis_name="c", subcore_axis_name="s")

    @functools.partial(
        pl.kernel,
        out_type=[jax.ShapeDtypeStruct((B * KE,), jnp.float32)] * 3,
        mesh=mesh,
        compiler_params=pltpu.CompilerParams(needs_layout_passes=False),
        scratch_types=[
            pltpu.VMEM((nloc,), jnp.float32),
            pltpu.VMEM((nloc,), jnp.float32),
            pltpu.VMEM((nloc,), jnp.int32),
            pltpu.VMEM((KE,), jnp.int32),
            pltpu.VMEM((KE,), jnp.int32),
            pltpu.VMEM_SHARED((B * NPART * KE,), jnp.int32),
            pltpu.VMEM_SHARED((B * NPART * KE,), jnp.int32),
            pltpu.VMEM((ncand,), jnp.int32),
            pltpu.VMEM((ncand,), jnp.int32),
            pltpu.VMEM((N,), jnp.float32),
            pltpu.VMEM((N,), jnp.float32),
            pltpu.VMEM((KE,), jnp.float32),
            pltpu.VMEM((KE,), jnp.float32),
            pltpu.VMEM((KE,), jnp.float32),
        ],
    )
    def sel(spike_h, mask_h, t_h, var_h, oidx_h, ots_h, ovs_h,
            sp_v, mk_v, key_v, ck_v, ci_v, shk, shi, mgk_v, mgi_v,
            tv, vv, oi_v, ot_v, ov_v):
        cid = lax.axis_index("c")
        sid = lax.axis_index("s")

        @pl.when(cid == 0)
        def _core0():
            row = sid // NPART
            part = sid % NPART
            base = row * N + part * nloc
            pltpu.sync_copy(spike_h.at[pl.ds(base, nloc)], sp_v)
            pltpu.sync_copy(mask_h.at[pl.ds(base, nloc)], mk_v)

            def keys_body(i, _):
                for u in range(4):
                    o = i * 64 + u * 16
                    s = sp_v[pl.ds(o, 16)] * mk_v[pl.ds(o, 16)]
                    b0 = lax.bitcast_convert_type(s, jnp.int32)
                    key_v[pl.ds(o, 16)] = b0 ^ (
                        lax.shift_right_arithmetic(b0, 31)
                        & jnp.int32(0x7FFFFFFF))
                return 0

            lax.fori_loop(0, nloc // 64, keys_body, 0)

            tau1 = _bs_tau(key_v, nloc // 16)
            rn1 = KE - _count_gt(key_v, nloc // 16, tau1)

            def wr1(i, slot, selm):
                kv = key_v[pl.ds(i * 16, 16)]
                gidx = (part * nloc + i * 16
                        + lax.broadcasted_iota(jnp.int32, (16,), 0))
                plsc.store_scatter(ck_v, [slot], kv, mask=selm)
                plsc.store_scatter(ci_v, [slot], gidx, mask=selm)

            _compact(key_v, nloc // 16, tau1, rn1, wr1)

            pltpu.sync_copy(ck_v, shk.at[pl.ds(sid * KE, KE)])
            pltpu.sync_copy(ci_v, shi.at[pl.ds(sid * KE, KE)])
            plsc.subcore_barrier()

            @pl.when(sid < B)
            def _merge():
                pltpu.sync_copy(shk.at[pl.ds(sid * ncand, ncand)], mgk_v)
                pltpu.sync_copy(shi.at[pl.ds(sid * ncand, ncand)], mgi_v)
                pltpu.sync_copy(t_h.at[pl.ds(sid * N, N)], tv)
                pltpu.sync_copy(var_h.at[pl.ds(sid * N, N)], vv)

                tau2 = _bs_tau(mgk_v, ncand // 16)
                rn2 = KE - _count_gt(mgk_v, ncand // 16, tau2)

                def wr2(i, slot, selm):
                    iv = mgi_v[pl.ds(i * 16, 16)]
                    tg = plsc.load_gather(tv, [iv])
                    vg = plsc.load_gather(vv, [iv])
                    plsc.store_scatter(oi_v, [slot],
                                       iv.astype(jnp.float32), mask=selm)
                    plsc.store_scatter(ot_v, [slot], tg, mask=selm)
                    plsc.store_scatter(ov_v, [slot], vg, mask=selm)

                _compact(mgk_v, ncand // 16, tau2, rn2, wr2)

                pltpu.sync_copy(oi_v, oidx_h.at[pl.ds(sid * KE, KE)])
                pltpu.sync_copy(ot_v, ots_h.at[pl.ds(sid * KE, KE)])
                pltpu.sync_copy(ov_v, ovs_h.at[pl.ds(sid * KE, KE)])

    return sel(spike_f, mask_f, t_f, var_f)



def _events_body(idx_ref, ts_ref, vs_ref, sb_ref, tb_ref, vb_ref, mb_ref,
                 q_ref, dta_ref, wst_ref, bs_ref, wat_ref, ba_ref,
                 wkt_ref, bk_ref, wvt_ref, bv_ref,
                 wqt_ref, bq_ref, wot_ref,
                 kc_out, vo_out, bsc_out,
                 num_scr, den_scr, qseed_scr, *, nblk):
    i = pl.program_id(1)
    q = q_ref[0]
    dt_a = dta_ref[0, 0]

    @pl.when(i == 0)
    def _init():
        num_scr[...] = jnp.zeros_like(num_scr)
        den_scr[...] = jnp.zeros_like(den_scr)
        qseed_scr[...] = jnp.zeros_like(qseed_scr)

    idxc = idx_ref[0]
    tsc = ts_ref[0]
    vsc = vs_ref[0]
    tb = tb_ref[0]
    vb = vb_ref[0]
    sb = sb_ref[0]
    mb = mb_ref[0]

    pos = (jax.lax.broadcasted_iota(jnp.int32, (KE, TN), 1)
           + i * TN).astype(jnp.float32)
    s_blk = (idxc == pos).astype(jnp.float32)
    qseed_scr[...] += jax.lax.dot_general(
        s_blk, q, (((1,), (0,)), ((), ())), preferred_element_type=jnp.float32)

    delta = jnp.abs(tb - tsc)
    win = (delta <= dt_a).astype(jnp.float32)
    decay = jnp.exp(-2.0 * delta / jnp.maximum(dt_a, 0.001))
    vaff = 0.5 + 0.5 * (vb == vsc).astype(jnp.float32)
    incid = win * decay * vaff * sb * mb
    num_scr[...] += jax.lax.dot_general(
        incid, q, (((1,), (0,)), ((), ())), preferred_element_type=jnp.float32)
    den_scr[...] += jnp.sum(incid, axis=1, keepdims=True)

    @pl.when(i == nblk - 1)
    def _fin():
        hs = jnp.dot(qseed_scr[...], wst_ref[...],
                     preferred_element_type=jnp.float32) + bs_ref[...]
        agg = num_scr[...] / jnp.maximum(den_scr[...], 1e-6)
        he = hs + jnp.dot(agg, wat_ref[...],
                          preferred_element_type=jnp.float32) + ba_ref[...]
        kk = jnp.dot(he, wkt_ref[...],
                     preferred_element_type=jnp.float32) + bk_ref[...]
        vv = jnp.dot(he, wvt_ref[...],
                     preferred_element_type=jnp.float32) + bv_ref[...]
        kcs, vos, bscs = [], [], []
        for h in range(NH):
            kh = kk[:, h * HD:(h + 1) * HD]
            vh = vv[:, h * HD:(h + 1) * HD]
            kcs.append(jax.lax.dot_general(
                wqt_ref[:, pl.ds(h * HD, HD)], kh, (((1,), (1,)), ((), ())),
                preferred_element_type=jnp.float32))
            bscs.append(jax.lax.dot_general(
                bq_ref[:, pl.ds(h * HD, HD)], kh, (((1,), (1,)), ((), ())),
                preferred_element_type=jnp.float32))
            vos.append(jnp.dot(vh, wot_ref[pl.ds(h * HD, HD), :],
                               preferred_element_type=jnp.float32))
        kc_out[0] = jnp.concatenate(kcs, 1)
        vo_out[0] = jnp.concatenate(vos, 0)
        bsc_out[0] = jnp.concatenate(bscs, 1)


def _attn_body(q_ref, t_ref, mask_ref, ts4_ref, kc_ref, vo_ref, bsc_ref,
               dtd_ref, bo_ref, out_ref):
    q = q_ref[0]
    tcol = t_ref[0]
    mcol = mask_ref[0]
    tsr = ts4_ref[0]
    tsr4 = jnp.concatenate([tsr] * NH, axis=1)
    kc = kc_ref[0]
    vo = vo_ref[0]
    bsc = bsc_ref[0]
    dt_d = dtd_ref[0, 0]

    delta = jnp.abs(tcol - tsr4)
    wmask = jnp.logical_and(delta <= dt_d, mcol != 0.0)

    scale = 1.0 / math.sqrt(HD)
    sca = (jnp.dot(q, kc, preferred_element_type=jnp.float32) + bsc) * scale
    sca = jnp.where(wmask, sca, jnp.float32(-1e9))

    acc = jnp.zeros((TN, D), jnp.float32) + bo_ref[...]
    for h in range(NH):
        s = sca[:, h * KE:(h + 1) * KE]
        m = jnp.max(s, axis=1, keepdims=True)
        p = jnp.exp(s - m)
        p = p * (1.0 / jnp.sum(p, axis=1, keepdims=True))
        acc += jnp.dot(p, vo[h * KE:(h + 1) * KE, :],
                       preferred_element_type=jnp.float32)
    out_ref[0] = acc


def kernel(q_rot, spike, time_norm, var_id, mask, params):
    B, N, Dm = q_rot.shape
    nblk = N // TN

    wst, bs = _build_wt(params['seed'])
    wat, ba = _build_wt(params['aggr'])
    wqt, bq = _build_wt(params['fc_q'])
    wkt, bk = _build_wt(params['fc_k'])
    wvt, bv = _build_wt(params['fc_v'])
    wot, bo = _build_wt(params['fc_o'])
    dt_a = jnp.clip(jnp.exp(params['log_dt_aggr']), 0.001, 1.0).reshape(1, 1)
    dt_d = jnp.clip(jnp.exp(params['log_dt_dist']), 0.001, 1.0).reshape(1, 1)

    var_f = var_id.astype(jnp.float32)
    idxf, tsf, vsf = _sc_select(
        spike.reshape(B * N), mask.reshape(B * N),
        time_norm.reshape(B * N), var_f.reshape(B * N), B, N)

    idx_col = idxf.reshape(B, KE, 1)
    ts_col = tsf.reshape(B, KE, 1)
    vs_col = vsf.reshape(B, KE, 1)

    spike_row = spike.reshape(B, 1, N)
    t_row = time_norm.reshape(B, 1, N)
    var_row = var_f.reshape(B, 1, N)
    mask_row = mask.reshape(B, 1, N)

    col_spec = pl.BlockSpec((1, KE, 1), lambda b, i: (b, 0, 0))
    blk_row_spec = pl.BlockSpec((1, 1, TN), lambda b, i: (b, 0, i))
    w_spec = pl.BlockSpec((D, D), lambda b, i: (0, 0))
    b_spec = pl.BlockSpec((1, D), lambda b, i: (0, 0))
    smem_spec = pl.BlockSpec(memory_space=pltpu.SMEM)

    kc_ev, vo_ev, bsc_ev = pl.pallas_call(
        functools.partial(_events_body, nblk=nblk),
        grid=(B, nblk),
        in_specs=[
            col_spec, col_spec, col_spec,
            blk_row_spec, blk_row_spec, blk_row_spec, blk_row_spec,
            pl.BlockSpec((1, TN, D), lambda b, i: (b, i, 0)),
            smem_spec,
            w_spec, b_spec, w_spec, b_spec, w_spec, b_spec, w_spec, b_spec,
            w_spec, b_spec, w_spec,
        ],
        out_specs=[
            pl.BlockSpec((1, D, NH * KE), lambda b, i: (b, 0, 0)),
            pl.BlockSpec((1, NH * KE, D), lambda b, i: (b, 0, 0)),
            pl.BlockSpec((1, 1, NH * KE), lambda b, i: (b, 0, 0)),
        ],
        out_shape=[
            jax.ShapeDtypeStruct((B, D, NH * KE), jnp.float32),
            jax.ShapeDtypeStruct((B, NH * KE, D), jnp.float32),
            jax.ShapeDtypeStruct((B, 1, NH * KE), jnp.float32),
        ],
        scratch_shapes=[
            pltpu.VMEM((KE, D), jnp.float32),
            pltpu.VMEM((KE, 1), jnp.float32),
            pltpu.VMEM((KE, D), jnp.float32),
        ],
    )(idx_col, ts_col, vs_col,
      spike_row, t_row, var_row, mask_row, q_rot, dt_a,
      wst, bs, wat, ba, wkt, bk, wvt, bv, wqt, bq, wot)

    ts4_row = tsf.reshape(B, 1, KE)
    t_col = time_norm.reshape(B, N, 1)
    mask_col = mask.reshape(B, N, 1)

    out = pl.pallas_call(
        _attn_body,
        grid=(B, nblk),
        in_specs=[
            pl.BlockSpec((1, TN, D), lambda b, i: (b, i, 0)),
            pl.BlockSpec((1, TN, 1), lambda b, i: (b, i, 0)),
            pl.BlockSpec((1, TN, 1), lambda b, i: (b, i, 0)),
            pl.BlockSpec((1, 1, KE), lambda b, i: (b, 0, 0)),
            pl.BlockSpec((1, D, NH * KE), lambda b, i: (b, 0, 0)),
            pl.BlockSpec((1, NH * KE, D), lambda b, i: (b, 0, 0)),
            pl.BlockSpec((1, 1, NH * KE), lambda b, i: (b, 0, 0)),
            smem_spec,
            b_spec,
        ],
        out_specs=pl.BlockSpec((1, TN, D), lambda b, i: (b, i, 0)),
        out_shape=jax.ShapeDtypeStruct((B, N, Dm), jnp.float32),
    )(q_rot, t_col, mask_col, ts4_row, kc_ev, vo_ev, bsc_ev, dt_d, bo)

    return out

# --- scband reference (transcript-rebuilt; emitter-appended) ---
"""Pipeline reference for scband-spike-triggered-event-layer-68702296867233 (READ-ONLY COPY).

The authoritative reference and input builder live on the scoring server;
editing this copy changes nothing except your own understanding.
"""

import math
import jax, jax.numpy as jnp
import numpy as np

D = 256
KE = 128
NH = 4


def make_qlin(key, d):
    q = d // 4
    a = math.sqrt(6.0 / (q + q))
    ks = jax.random.split(key, 4)
    return {
        'r': jax.random.uniform(ks[0], (q, q), jnp.float32, -a, a),
        'i': jax.random.uniform(ks[1], (q, q), jnp.float32, -a, a),
        'j': jax.random.uniform(ks[2], (q, q), jnp.float32, -a, a),
        'k': jax.random.uniform(ks[3], (q, q), jnp.float32, -a, a),
        'b': jnp.zeros((d,), jnp.float32),
    }


def qlin(x, p):
    r, i, j, k = p['r'], p['i'], p['j'], p['k']
    W = jnp.concatenate([
        jnp.concatenate([r, -i, -j, -k], 1),
        jnp.concatenate([i, r, -k, j], 1),
        jnp.concatenate([j, k, r, -i], 1),
        jnp.concatenate([k, -j, i, r], 1),
    ], 0)
    return x @ W.T + p['b']


def setup_inputs(seed: int = 0) -> dict:
    key = jax.random.key(seed)
    ks = jax.random.split(key, 12)
    B, N = 4, 8192
    q_rot = jax.random.normal(ks[0], (B, N, D), jnp.float32)
    spike = jax.random.uniform(ks[1], (B, N), jnp.float32)
    time_norm = jax.random.uniform(ks[2], (B, N), jnp.float32)
    var_id = jax.random.randint(ks[3], (B, N), 0, 32, jnp.int32)
    mask = jnp.ones((B, N), jnp.float32)
    params = {
        'log_dt_aggr': jnp.asarray(math.log(0.05), jnp.float32),
        'log_dt_dist': jnp.asarray(math.log(0.1), jnp.float32),
        'seed': make_qlin(ks[4], D),
        'aggr': make_qlin(ks[5], D),
        'fc_q': make_qlin(ks[6], D),
        'fc_k': make_qlin(ks[7], D),
        'fc_v': make_qlin(ks[8], D),
        'fc_o': make_qlin(ks[9], D),
    }
    return {'q_rot': q_rot, 'spike': spike, 'time_norm': time_norm,
            'var_id': var_id, 'mask': mask, 'params': params}


def reference(q_rot, spike, time_norm, var_id, mask, params):
    B, N, Dm = q_rot.shape
    K_e = min(KE, N)
    spike_for_topk = spike * mask
    _, idx = jax.lax.top_k(spike_for_topk, K_e)  # [B, K_e]
    q_seed = jnp.take_along_axis(q_rot, jnp.broadcast_to(idx[:, :, None], (B, K_e, Dm)), axis=1)
    t_seed = jnp.take_along_axis(time_norm, idx, axis=1)
    var_seed = jnp.take_along_axis(var_id, idx, axis=1)
    h_event = qlin(q_seed, params['seed'])
    dt_aggr = jnp.clip(jnp.exp(params['log_dt_aggr']), 0.001, 1.0)
    delta = jnp.abs(time_norm[:, None, :] - t_seed[:, :, None])  # [B, K_e, N]
    in_window_aggr = (delta <= dt_aggr).astype(jnp.float32)
    decay_aggr = jnp.exp(-2.0 * delta / jnp.maximum(dt_aggr, 0.001))
    same_var = (var_id[:, None, :] == var_seed[:, :, None]).astype(jnp.float32)
    var_aff = 0.5 + 0.5 * same_var
    incid_aggr = in_window_aggr * decay_aggr * var_aff * spike[:, None, :] * mask[:, None, :]
    denom = jnp.maximum(incid_aggr.sum(axis=-1, keepdims=True), 1e-06)
    h_event = h_event + qlin(jnp.einsum('bkn,bnd->bkd', incid_aggr, q_rot) / denom, params['aggr'])
    dt_dist = jnp.clip(jnp.exp(params['log_dt_dist']), 0.001, 1.0)
    in_window_dist = (delta <= dt_dist).astype(jnp.float32)
    attn_mask = jnp.swapaxes(in_window_dist, 1, 2) * mask[:, :, None]  # [B, N, K_e]
    H = NH
    hd = Dm // H
    Q = qlin(q_rot, params['fc_q']).reshape(B, N, H, hd).transpose(0, 2, 1, 3)
    K = qlin(h_event, params['fc_k']).reshape(B, K_e, H, hd).transpose(0, 2, 1, 3)
    V = qlin(h_event, params['fc_v']).reshape(B, K_e, H, hd).transpose(0, 2, 1, 3)
    scores = jnp.einsum('bhqd,bhkd->bhqk', Q, K) * (1.0 / math.sqrt(hd))
    scores = jnp.where(attn_mask[:, None, :, :] == 0, -1000000000.0, scores)
    attn = jax.nn.softmax(scores, axis=-1)
    out = jnp.einsum('bhqk,bhkd->bhqd', attn, V)
    out = out.transpose(0, 2, 1, 3).reshape(B, N, Dm)
    return qlin(out, params['fc_o'])

if __name__ == "__main__":
    import jax
    _d = setup_inputs()
    print(jax.jit(kernel)(*tuple(_d.values())))

</pallas_src>

<mosaic_0001>
#map = affine_map<(d0, d1) -> (0)>
module attributes {stable_mosaic.version = 14 : i64} {
  func.func @sel(%arg0: i32, %arg1: i32, %arg2: memref<32768xf32, #tpu.memory_space<hbm>>, %arg3: memref<32768xf32, #tpu.memory_space<hbm>>, %arg4: memref<32768xf32, #tpu.memory_space<hbm>>, %arg5: memref<32768xf32, #tpu.memory_space<hbm>>, %arg6: memref<512xf32, #tpu.memory_space<hbm>>, %arg7: memref<512xf32, #tpu.memory_space<hbm>>, %arg8: memref<512xf32, #tpu.memory_space<hbm>>, %arg9: memref<2048xf32, #tpu.memory_space<vmem>>, %arg10: memref<2048xf32, #tpu.memory_space<vmem>>, %arg11: memref<2048xi32, #tpu.memory_space<vmem>>, %arg12: memref<128xi32, #tpu.memory_space<vmem>>, %arg13: memref<128xi32, #tpu.memory_space<vmem>>, %arg14: memref<2048xi32, #tpu.memory_space<vmem_shared>>, %arg15: memref<2048xi32, #tpu.memory_space<vmem_shared>>, %arg16: memref<512xi32, #tpu.memory_space<vmem>>, %arg17: memref<512xi32, #tpu.memory_space<vmem>>, %arg18: memref<8192xf32, #tpu.memory_space<vmem>>, %arg19: memref<8192xf32, #tpu.memory_space<vmem>>, %arg20: memref<128xf32, #tpu.memory_space<vmem>>, %arg21: memref<128xf32, #tpu.memory_space<vmem>>, %arg22: memref<128xf32, #tpu.memory_space<vmem>>) attributes {dimension_semantics = [#tpu.dimension_semantics<core_parallel>, #tpu.dimension_semantics<subcore_parallel>], iteration_bounds = array<i64: 2, 16>, scalar_prefetch = 0 : i64, scratch_operands = 14 : i64, tpu.core_type = #tpu.core_type<sc_vector_subcore>, window_params = [{transform_indices = #map}, {transform_indices = #map}, {transform_indices = #map}, {transform_indices = #map}, {transform_indices = #map}, {transform_indices = #map}, {transform_indices = #map}]} {
    %eq3A = arith.constant 0 : i32
    %eq3A_0 = arith.cmpi eq, %arg0, %eq3A : i32
    %convert_element_type3A = arith.extui %eq3A_0 : i1 to i32
    %cond3A = arith.constant 0 : i32
    %cond3A_1 = arith.cmpi ne, %convert_element_type3A, %cond3A : i32
    scf.if %cond3A_1 {
      %jit3A = arith.constant 4 : i32
      %div3A = arith.divsi %arg1, %jit3A : i32
      %sign3A = arith.constant 0 : i32
      %sign3A_2 = arith.cmpi sgt, %arg1, %sign3A : i32
      %sign3A_3 = arith.extui %sign3A_2 : i1 to i32
      %sign3A_4 = arith.constant 0 : i32
      %sign3A_5 = arith.cmpi slt, %arg1, %sign3A_4 : i32
      %sign3A_6 = arith.extui %sign3A_5 : i1 to i32
      %sign3A_7 = arith.subi %sign3A_3, %sign3A_6 : i32
      %sign3A_8 = arith.constant 0 : i32
      %sign3A_9 = arith.cmpi sgt, %jit3A, %sign3A_8 : i32
      %sign3A_10 = arith.extui %sign3A_9 : i1 to i32
      %sign3A_11 = arith.constant 0 : i32
      %sign3A_12 = arith.cmpi slt, %jit3A, %sign3A_11 : i32
      %sign3A_13 = arith.extui %sign3A_12 : i1 to i32
      %sign3A_14 = arith.subi %sign3A_10, %sign3A_13 : i32
      %ne3A = arith.cmpi ne, %sign3A_7, %sign3A_14 : i32
      %rem3A = arith.remsi %arg1, %jit3A : i32
      %ne3A_15 = arith.constant 0 : i32
      %ne3A_16 = arith.cmpi ne, %rem3A, %ne3A_15 : i32
      %and3A = arith.andi %ne3A, %ne3A_16 : i1
      %sub3A = arith.constant 1 : i32
      %sub3A_17 = arith.subi %div3A, %sub3A : i32
      %select_n3A = arith.select %and3A, %sub3A_17, %div3A : i32
      %jit3A_18 = arith.constant 4 : i32
      %eq3A_19 = arith.constant 0 : i32
      %eq3A_20 = arith.cmpi eq, %jit3A_18, %eq3A_19 : i32
      %jit3A_21 = arith.constant 1 : i32
      %select_n3A_22 = arith.select %eq3A_20, %jit3A_21, %jit3A_18 : i32
      %rem3A_23 = arith.remsi %arg1, %select_n3A_22 : i32
      %ne3A_24 = arith.constant 0 : i32
      %ne3A_25 = arith.cmpi ne, %rem3A_23, %ne3A_24 : i32
      %lt3A = arith.constant 0 : i32
      %lt3A_26 = arith.cmpi slt, %rem3A_23, %lt3A : i32
      %lt3A_27 = arith.constant 0 : i32
      %lt3A_28 = arith.cmpi slt, %select_n3A_22, %lt3A_27 : i32
      %ne3A_29 = arith.xori %lt3A_26, %lt3A_28 : i1
      %and3A_30 = arith.andi %ne3A_29, %ne3A_25 : i1
      %add3A = arith.addi %rem3A_23, %select_n3A_22 : i32
      %select_n3A_31 = arith.select %and3A_30, %add3A, %rem3A_23 : i32
      %mul3A = arith.constant 8192 : i32
      %mul3A_32 = arith.muli %select_n3A, %mul3A : i32
      %mul3A_33 = arith.constant 2048 : i32
      %mul3A_34 = arith.muli %select_n3A_31, %mul3A_33 : i32
      %add3A_35 = arith.addi %mul3A_32, %mul3A_34 : i32
      "tpu.region"() ({
        %run_scoped3A = tpu.sem_alloc : memref<!tpu.dma_semaphore, #tpu.memory_space<semaphore_mem>>
        %dma_start3A = tpu.memref_slice %arg2[%add3A_35] : memref<32768xf32, #tpu.memory_space<hbm>> -> memref<2048xf32, #tpu.memory_space<hbm>>
        %dma_start3A_79 = tpu.memref_slice %arg2[%add3A_35] : memref<32768xf32, #tpu.memory_space<hbm>> -> memref<2048xf32, #tpu.memory_space<hbm>>
        tpu.enqueue_dma source(%dma_start3A_79 : memref<2048xf32, #tpu.memory_space<hbm>>) target(%arg9 : memref<2048xf32, #tpu.memory_space<vmem>>) target_semaphore(%run_scoped3A : memref<!tpu.dma_semaphore, #tpu.memory_space<semaphore_mem>>)
        %dma_wait3A = tpu.memref_slice %arg2[%add3A_35] : memref<32768xf32, #tpu.memory_space<hbm>> -> memref<2048xf32, #tpu.memory_space<hbm>>
        %dma_wait3A_80 = tpu.memref_slice %arg2[%add3A_35] : memref<32768xf32, #tpu.memory_space<hbm>> -> memref<2048xf32, #tpu.memory_space<hbm>>
        tpu.wait_dma2 semaphore(%run_scoped3A : memref<!tpu.dma_semaphore, #tpu.memory_space<semaphore_mem>>) src(%dma_wait3A_80 : memref<2048xf32, #tpu.memory_space<hbm>>) dst(%arg9 : memref<2048xf32, #tpu.memory_space<vmem>>)
        tpu.yield
      }) : () -> ()
      "tpu.region"() ({
        %run_scoped3A = tpu.sem_alloc : memref<!tpu.dma_semaphore, #tpu.memory_space<semaphore_mem>>
        %dma_start3A = tpu.memref_slice %arg3[%add3A_35] : memref<32768xf32, #tpu.memory_space<hbm>> -> memref<2048xf32, #tpu.memory_space<hbm>>
        %dma_start3A_79 = tpu.memref_slice %arg3[%add3A_35] : memref<32768xf32, #tpu.memory_space<hbm>> -> memref<2048xf32, #tpu.memory_space<hbm>>
        tpu.enqueue_dma source(%dma_start3A_79 : memref<2048xf32, #tpu.memory_space<hbm>>) target(%arg10 : memref<2048xf32, #tpu.memory_space<vmem>>) target_semaphore(%run_scoped3A : memref<!tpu.dma_semaphore, #tpu.memory_space<semaphore_mem>>)
        %dma_wait3A = tpu.memref_slice %arg3[%add3A_35] : memref<32768xf32, #tpu.memory_space<hbm>> -> memref<2048xf32, #tpu.memory_space<hbm>>
        %dma_wait3A_80 = tpu.memref_slice %arg3[%add3A_35] : memref<32768xf32, #tpu.memory_space<hbm>> -> memref<2048xf32, #tpu.memory_space<hbm>>
        tpu.wait_dma2 semaphore(%run_scoped3A : memref<!tpu.dma_semaphore, #tpu.memory_space<semaphore_mem>>) src(%dma_wait3A_80 : memref<2048xf32, #tpu.memory_space<hbm>>) dst(%arg10 : memref<2048xf32, #tpu.memory_space<vmem>>)
        tpu.yield
      }) : () -> ()
      %scan3A = arith.constant 0 : i32
      %scan3A_36 = arith.constant 0 : i32
      %scan3A_37 = arith.constant 32 : i32
      %scan3A_38 = arith.addi %scan3A_36, %scan3A_37 : i32
      %scan3A_39 = arith.constant 1 : i32
      %scan3A_40 = scf.for %scan3A_79 = %scan3A_36 to %scan3A_38 step %scan3A_39 iter_args(%scan3A_80 = %scan3A) -> (i32)  : i32 {
        %mul3A_81 = arith.constant 64 : i32
        %mul3A_82 = arith.muli %scan3A_79, %mul3A_81 : i32
        %add3A_83 = arith.constant 0 : i32
        %add3A_84 = arith.addi %mul3A_82, %add3A_83 : i32
        %get3A = arith.index_cast %add3A_84 : i32 to index
        %get3A_85 = tpu.vector_load %arg9[%get3A] {strides = array<i32>} : memref<2048xf32, #tpu.memory_space<vmem>>, vector<16xf32>,
        %get3A_86 = arith.index_cast %add3A_84 : i32 to index
        %get3A_87 = tpu.vector_load %arg10[%get3A_86] {strides = array<i32>} : memref<2048xf32, #tpu.memory_space<vmem>>, vector<16xf32>,
        %mul3A_88 = arith.mulf %get3A_85, %get3A_87 : vector<16xf32>
        %bitcast_convert_type3A = tpu.bitcast %mul3A_88 : vector<16xf32> -> vector<16xi32>
        %shift_right_arithmetic3A = arith.constant 31 : i32
        %shift_right_arithmetic3A_89 = vector.broadcast %shift_right_arithmetic3A : i32 to vector<16xi32>
        %shift_right_arithmetic3A_90 = arith.shrsi %bitcast_convert_type3A, %shift_right_arithmetic3A_89 : vector<16xi32>
        %and3A_91 = arith.constant 2147483647 : i32
        %and3A_92 = vector.broadcast %and3A_91 : i32 to vector<16xi32>
        %and3A_93 = arith.andi %shift_right_arithmetic3A_90, %and3A_92 : vector<16xi32>
        %xor3A = arith.xori %bitcast_convert_type3A, %and3A_93 : vector<16xi32>
        %swap3A = arith.index_cast %add3A_84 : i32 to index
        %swap3A_94 = tpu.vector_load %arg11[%swap3A] {strides = array<i32>} : memref<2048xi32, #tpu.memory_space<vmem>>, vector<16xi32>,
        tpu.vector_store %arg11[%swap3A], %xor3A {strides = array<i32>} : memref<2048xi32, #tpu.memory_space<vmem>>, vector<16xi32>,
        %mul3A_95 = arith.constant 64 : i32
        %mul3A_96 = arith.muli %scan3A_79, %mul3A_95 : i32
        %add3A_97 = arith.constant 16 : i32
        %add3A_98 = arith.addi %mul3A_96, %add3A_97 : i32
        %get3A_99 = arith.index_cast %add3A_98 : i32 to index
        %get3A_100 = tpu.vector_load %arg9[%get3A_99] {strides = array<i32>} : memref<2048xf32, #tpu.memory_space<vmem>>, vector<16xf32>,
        %get3A_101 = arith.index_cast %add3A_98 : i32 to index
        %get3A_102 = tpu.vector_load %arg10[%get3A_101] {strides = array<i32>} : memref<2048xf32, #tpu.memory_space<vmem>>, vector<16xf32>,
        %mul3A_103 = arith.mulf %get3A_100, %get3A_102 : vector<16xf32>
        %bitcast_convert_type3A_104 = tpu.bitcast %mul3A_103 : vector<16xf32> -> vector<16xi32>
        %shift_right_arithmetic3A_105 = arith.constant 31 : i32
        %shift_right_arithmetic3A_106 = vector.broadcast %shift_right_arithmetic3A_105 : i32 to vector<16xi32>
        %shift_right_arithmetic3A_107 = arith.shrsi %bitcast_convert_type3A_104, %shift_right_arithmetic3A_106 : vector<16xi32>
        %and3A_108 = arith.constant 2147483647 : i32
        %and3A_109 = vector.broadcast %and3A_108 : i32 to vector<16xi32>
        %and3A_110 = arith.andi %shift_right_arithmetic3A_107, %and3A_109 : vector<16xi32>
        %xor3A_111 = arith.xori %bitcast_convert_type3A_104, %and3A_110 : vector<16xi32>
        %swap3A_112 = arith.index_cast %add3A_98 : i32 to index
        %swap3A_113 = tpu.vector_load %arg11[%swap3A_112] {strides = array<i32>} : memref<2048xi32, #tpu.memory_space<vmem>>, vector<16xi32>,
        tpu.vector_store %arg11[%swap3A_112], %xor3A_111 {strides = array<i32>} : memref<2048xi32, #tpu.memory_space<vmem>>, vector<16xi32>,
        %mul3A_114 = arith.constant 64 : i32
        %mul3A_115 = arith.muli %scan3A_79, %mul3A_114 : i32
        %add3A_116 = arith.constant 32 : i32
        %add3A_117 = arith.addi %mul3A_115, %add3A_116 : i32
        %get3A_118 = arith.index_cast %add3A_117 : i32 to index
        %get3A_119 = tpu.vector_load %arg9[%get3A_118] {strides = array<i32>} : memref<2048xf32, #tpu.memory_space<vmem>>, vector<16xf32>,
        %get3A_120 = arith.index_cast %add3A_117 : i32 to index
        %get3A_121 = tpu.vector_load %arg10[%get3A_120] {strides = array<i32>} : memref<2048xf32, #tpu.memory_space<vmem>>, vector<16xf32>,
        %mul3A_122 = arith.mulf %get3A_119, %get3A_121 : vector<16xf32>
        %bitcast_convert_type3A_123 = tpu.bitcast %mul3A_122 : vector<16xf32> -> vector<16xi32>
        %shift_right_arithmetic3A_124 = arith.constant 31 : i32
        %shift_right_arithmetic3A_125 = vector.broadcast %shift_right_arithmetic3A_124 : i32 to vector<16xi32>
        %shift_right_arithmetic3A_126 = arith.shrsi %bitcast_convert_type3A_123, %shift_right_arithmetic3A_125 : vector<16xi32>
        %and3A_127 = arith.constant 2147483647 : i32
        %and3A_128 = vector.broadcast %and3A_127 : i32 to vector<16xi32>
        %and3A_129 = arith.andi %shift_right_arithmetic3A_126, %and3A_128 : vector<16xi32>
        %xor3A_130 = arith.xori %bitcast_convert_type3A_123, %and3A_129 : vector<16xi32>
        %swap3A_131 = arith.index_cast %add3A_117 : i32 to index
        %swap3A_132 = tpu.vector_load %arg11[%swap3A_131] {strides = array<i32>} : memref<2048xi32, #tpu.memory_space<vmem>>, vector<16xi32>,
        tpu.vector_store %arg11[%swap3A_131], %xor3A_130 {strides = array<i32>} : memref<2048xi32, #tpu.memory_space<vmem>>, vector<16xi32>,
        %mul3A_133 = arith.constant 64 : i32
        %mul3A_134 = arith.muli %scan3A_79, %mul3A_133 : i32
        %add3A_135 = arith.constant 48 : i32
        %add3A_136 = arith.addi %mul3A_134, %add3A_135 : i32
        %get3A_137 = arith.index_cast %add3A_136 : i32 to index
        %get3A_138 = tpu.vector_load %arg9[%get3A_137] {strides = array<i32>} : memref<2048xf32, #tpu.memory_space<vmem>>, vector<16xf32>,
        %get3A_139 = arith.index_cast %add3A_136 : i32 to index
        %get3A_140 = tpu.vector_load %arg10[%get3A_139] {strides = array<i32>} : memref<2048xf32, #tpu.memory_space<vmem>>, vector<16xf32>,
        %mul3A_141 = arith.mulf %get3A_138, %get3A_140 : vector<16xf32>
        %bitcast_convert_type3A_142 = tpu.bitcast %mul3A_141 : vector<16xf32> -> vector<16xi32>
        %shift_right_arithmetic3A_143 = arith.constant 31 : i32
        %shift_right_arithmetic3A_144 = vector.broadcast %shift_right_arithmetic3A_143 : i32 to vector<16xi32>
        %shift_right_arithmetic3A_145 = arith.shrsi %bitcast_convert_type3A_142, %shift_right_arithmetic3A_144 : vector<16xi32>
        %and3A_146 = arith.constant 2147483647 : i32
        %and3A_147 = vector.broadcast %and3A_146 : i32 to vector<16xi32>
        %and3A_148 = arith.andi %shift_right_arithmetic3A_145, %and3A_147 : vector<16xi32>
        %xor3A_149 = arith.xori %bitcast_convert_type3A_142, %and3A_148 : vector<16xi32>
        %swap3A_150 = arith.index_cast %add3A_136 : i32 to index
        %swap3A_151 = tpu.vector_load %arg11[%swap3A_150] {strides = array<i32>} : memref<2048xi32, #tpu.memory_space<vmem>>, vector<16xi32>,
        tpu.vector_store %arg11[%swap3A_150], %xor3A_149 {strides = array<i32>} : memref<2048xi32, #tpu.memory_space<vmem>>, vector<16xi32>,
        %scan3A_152 = arith.constant 0 : i32
        scf.yield %scan3A_152 : i32
      }
      %scan3A_41 = arith.constant 32 : i32
      %scan3A_42 = arith.constant -2147483648 : i32
      %scan3A_43 = arith.constant 2147483647 : i32
      %scan3A_44 = arith.constant 0 : i32
      %scan3A_45 = arith.constant 32 : i32
      %scan3A_46 = arith.addi %scan3A_44, %scan3A_45 : i32
      %scan3A_47 = arith.constant 1 : i32
      %scan3A_48:2 = scf.for %scan3A_79 = %scan3A_44 to %scan3A_46 step %scan3A_47 iter_args(%scan3A_80 = %scan3A_42, %scan3A_81 = %scan3A_43) -> (i32, i32)  : i32 {
        %and3A_82 = arith.andi %scan3A_80, %scan3A_81 : i32
        %xor3A = arith.xori %scan3A_80, %scan3A_81 : i32
        %shift_right_arithmetic3A = arith.constant 1 : i32
        %shift_right_arithmetic3A_83 = arith.shrsi %xor3A, %shift_right_arithmetic3A : i32
        %add3A_84 = arith.addi %and3A_82, %shift_right_arithmetic3A_83 : i32
        %broadcast_in_dim3A_85 = arith.constant 0 : i32
        %broadcast_in_dim3A_86 = vector.broadcast %broadcast_in_dim3A_85 : i32 to vector<16xi32>
        %scan3A_87 = arith.constant 0 : i32
        %scan3A_88 = arith.constant 32 : i32
        %scan3A_89 = arith.addi %scan3A_87, %scan3A_88 : i32
        %scan3A_90 = arith.constant 1 : i32
        %scan3A_91 = scf.for %scan3A_100 = %scan3A_87 to %scan3A_89 step %scan3A_90 iter_args(%scan3A_101 = %broadcast_in_dim3A_86) -> (vector<16xi32>)  : i32 {
          %mul3A_102 = arith.constant 64 : i32
          %mul3A_103 = arith.muli %scan3A_100, %mul3A_102 : i32
          %add3A_104 = arith.constant 0 : i32
          %add3A_105 = arith.addi %mul3A_103, %add3A_104 : i32
          %get3A = arith.index_cast %add3A_105 : i32 to index
          %get3A_106 = tpu.vector_load %arg11[%get3A] {strides = array<i32>} : memref<2048xi32, #tpu.memory_space<vmem>>, vector<16xi32>,
          %ge3A_107 = vector.broadcast %add3A_84 : i32 to vector<16xi32>
          %ge3A_108 = arith.cmpi sge, %get3A_106, %ge3A_107 : vector<16xi32>
          %jit3A_109 = arith.constant 1 : i32
          %jit3A_110 = arith.constant 0 : i32
          %broadcast_in_dim3A_111 = vector.broadcast %jit3A_109 : i32 to vector<16xi32>
          %broadcast_in_dim3A_112 = vector.broadcast %jit3A_110 : i32 to vector<16xi32>
          %select_n3A_113 = arith.select %ge3A_108, %broadcast_in_dim3A_111, %broadcast_in_dim3A_112 : vector<16xi1>, vector<16xi32>
          %add3A_114 = arith.addi %scan3A_101, %select_n3A_113 : vector<16xi32>
          %mul3A_115 = arith.constant 64 : i32
          %mul3A_116 = arith.muli %scan3A_100, %mul3A_115 : i32
          %add3A_117 = arith.constant 16 : i32
          %add3A_118 = arith.addi %mul3A_116, %add3A_117 : i32
          %get3A_119 = arith.index_cast %add3A_118 : i32 to index
          %get3A_120 = tpu.vector_load %arg11[%get3A_119] {strides = array<i32>} : memref<2048xi32, #tpu.memory_space<vmem>>, vector<16xi32>,
          %ge3A_121 = vector.broadcast %add3A_84 : i32 to vector<16xi32>
          %ge3A_122 = arith.cmpi sge, %get3A_120, %ge3A_121 : vector<16xi32>
          %jit3A_123 = arith.constant 1 : i32
          %jit3A_124 = arith.constant 0 : i32
          %broadcast_in_dim3A_125 = vector.broadcast %jit3A_123 : i32 to vector<16xi32>
          %broadcast_in_dim3A_126 = vector.broadcast %jit3A_124 : i32 to vector<16xi32>
          %select_n3A_127 = arith.select %ge3A_122, %broadcast_in_dim3A_125, %broadcast_in_dim3A_126 : vector<16xi1>, vector<16xi32>
          %add3A_128 = arith.addi %add3A_114, %select_n3A_127 : vector<16xi32>
          %mul3A_129 = arith.constant 64 : i32
          %mul3A_130 = arith.muli %scan3A_100, %mul3A_129 : i32
          %add3A_131 = arith.constant 32 : i32
          %add3A_132 = arith.addi %mul3A_130, %add3A_131 : i32
          %get3A_133 = arith.index_cast %add3A_132 : i32 to index
          %get3A_134 = tpu.vector_load %arg11[%get3A_133] {strides = array<i32>} : memref<2048xi32, #tpu.memory_space<vmem>>, vector<16xi32>,
          %ge3A_135 = vector.broadcast %add3A_84 : i32 to vector<16xi32>
          %ge3A_136 = arith.cmpi sge, %get3A_134, %ge3A_135 : vector<16xi32>
          %jit3A_137 = arith.constant 1 : i32
          %jit3A_138 = arith.constant 0 : i32
          %broadcast_in_dim3A_139 = vector.broadcast %jit3A_137 : i32 to vector<16xi32>
          %broadcast_in_dim3A_140 = vector.broadcast %jit3A_138 : i32 to vector<16xi32>
          %select_n3A_141 = arith.select %ge3A_136, %broadcast_in_dim3A_139, %broadcast_in_dim3A_140 : vector<16xi1>, vector<16xi32>
          %add3A_142 = arith.addi %add3A_128, %select_n3A_141 : vector<16xi32>
          %mul3A_143 = arith.constant 64 : i32
          %mul3A_144 = arith.muli %scan3A_100, %mul3A_143 : i32
          %add3A_145 = arith.constant 48 : i32
          %add3A_146 = arith.addi %mul3A_144, %add3A_145 : i32
          %get3A_147 = arith.index_cast %add3A_146 : i32 to index
          %get3A_148 = tpu.vector_load %arg11[%get3A_147] {strides = array<i32>} : memref<2048xi32, #tpu.memory_space<vmem>>, vector<16xi32>,
          %ge3A_149 = vector.broadcast %add3A_84 : i32 to vector<16xi32>
          %ge3A_150 = arith.cmpi sge, %get3A_148, %ge3A_149 : vector<16xi32>
          %jit3A_151 = arith.constant 1 : i32
          %jit3A_152 = arith.constant 0 : i32
          %broadcast_in_dim3A_153 = vector.broadcast %jit3A_151 : i32 to vector<16xi32>
          %broadcast_in_dim3A_154 = vector.broadcast %jit3A_152 : i32 to vector<16xi32>
          %select_n3A_155 = arith.select %ge3A_150, %broadcast_in_dim3A_153, %broadcast_in_dim3A_154 : vector<16xi1>, vector<16xi32>
          %add3A_156 = arith.addi %add3A_142, %select_n3A_155 : vector<16xi32>
          scf.yield %add3A_156 : vector<16xi32>
        }
        %scan3A_92 = arith.constant 32 : i32
        %reduce_sum3A_93 = arith.constant true
        %reduce_sum3A_94 = vector.broadcast %reduce_sum3A_93 : i1 to vector<16xi1>
        %reduce_sum3A_95 = tpu.scan <sum>, %scan3A_91 masked %reduce_sum3A_94 : vector<16xi32>, vector<16xi1> -> vector<16xi32>
        %reduce_sum3A_96 = vector.extract %reduce_sum3A_95[15] : i32 from vector<16xi32>
        %ge3A = arith.constant 128 : i32
        %ge3A_97 = arith.cmpi sge, %reduce_sum3A_96, %ge3A : i32
        %select_n3A_98 = arith.select %ge3A_97, %add3A_84, %scan3A_80 : i32
        %select_n3A_99 = arith.select %ge3A_97, %scan3A_81, %add3A_84 : i32
        scf.yield %select_n3A_98, %select_n3A_99 : i32, i32
      }
      %scan3A_49 = arith.constant 32 : i32
      %broadcast_in_dim3A = arith.constant 0 : i32
      %broadcast_in_dim3A_50 = vector.broadcast %broadcast_in_dim3A : i32 to vector<16xi32>
      %scan3A_51 = arith.constant 0 : i32
      %scan3A_52 = arith.constant 32 : i32
      %scan3A_53 = arith.addi %scan3A_51, %scan3A_52 : i32
      %scan3A_54 = arith.constant 1 : i32
      %scan3A_55 = scf.for %scan3A_79 = %scan3A_51 to %scan3A_53 step %scan3A_54 iter_args(%scan3A_80 = %broadcast_in_dim3A_50) -> (vector<16xi32>)  : i32 {
        %mul3A_81 = arith.constant 64 : i32
        %mul3A_82 = arith.muli %scan3A_79, %mul3A_81 : i32
        %add3A_83 = arith.constant 0 : i32
        %add3A_84 = arith.addi %mul3A_82, %add3A_83 : i32
        %get3A = arith.index_cast %add3A_84 : i32 to index
        %get3A_85 = tpu.vector_load %arg11[%get3A] {strides = array<i32>} : memref<2048xi32, #tpu.memory_space<vmem>>, vector<16xi32>,
        %gt3A = vector.broadcast %scan3A_48#0 : i32 to vector<16xi32>
        %gt3A_86 = arith.cmpi sgt, %get3A_85, %gt3A : vector<16xi32>
        %jit3A_87 = arith.constant 1 : i32
        %jit3A_88 = arith.constant 0 : i32
        %broadcast_in_dim3A_89 = vector.broadcast %jit3A_87 : i32 to vector<16xi32>
        %broadcast_in_dim3A_90 = vector.broadcast %jit3A_88 : i32 to vector<16xi32>
        %select_n3A_91 = arith.select %gt3A_86, %broadcast_in_dim3A_89, %broadcast_in_dim3A_90 : vector<16xi1>, vector<16xi32>
        %add3A_92 = arith.addi %scan3A_80, %select_n3A_91 : vector<16xi32>
        %mul3A_93 = arith.constant 64 : i32
        %mul3A_94 = arith.muli %scan3A_79, %mul3A_93 : i32
        %add3A_95 = arith.constant 16 : i32
        %add3A_96 = arith.addi %mul3A_94, %add3A_95 : i32
        %get3A_97 = arith.index_cast %add3A_96 : i32 to index
        %get3A_98 = tpu.vector_load %arg11[%get3A_97] {strides = array<i32>} : memref<2048xi32, #tpu.memory_space<vmem>>, vector<16xi32>,
        %gt3A_99 = vector.broadcast %scan3A_48#0 : i32 to vector<16xi32>
        %gt3A_100 = arith.cmpi sgt, %get3A_98, %gt3A_99 : vector<16xi32>
        %jit3A_101 = arith.constant 1 : i32
        %jit3A_102 = arith.constant 0 : i32
        %broadcast_in_dim3A_103 = vector.broadcast %jit3A_101 : i32 to vector<16xi32>
        %broadcast_in_dim3A_104 = vector.broadcast %jit3A_102 : i32 to vector<16xi32>
        %select_n3A_105 = arith.select %gt3A_100, %broadcast_in_dim3A_103, %broadcast_in_dim3A_104 : vector<16xi1>, vector<16xi32>
        %add3A_106 = arith.addi %add3A_92, %select_n3A_105 : vector<16xi32>
        %mul3A_107 = arith.constant 64 : i32
        %mul3A_108 = arith.muli %scan3A_79, %mul3A_107 : i32
        %add3A_109 = arith.constant 32 : i32
        %add3A_110 = arith.addi %mul3A_108, %add3A_109 : i32
        %get3A_111 = arith.index_cast %add3A_110 : i32 to index
        %get3A_112 = tpu.vector_load %arg11[%get3A_111] {strides = array<i32>} : memref<2048xi32, #tpu.memory_space<vmem>>, vector<16xi32>,
        %gt3A_113 = vector.broadcast %scan3A_48#0 : i32 to vector<16xi32>
        %gt3A_114 = arith.cmpi sgt, %get3A_112, %gt3A_113 : vector<16xi32>
        %jit3A_115 = arith.constant 1 : i32
        %jit3A_116 = arith.constant 0 : i32
        %broadcast_in_dim3A_117 = vector.broadcast %jit3A_115 : i32 to vector<16xi32>
        %broadcast_in_dim3A_118 = vector.broadcast %jit3A_116 : i32 to vector<16xi32>
        %select_n3A_119 = arith.select %gt3A_114, %broadcast_in_dim3A_117, %broadcast_in_dim3A_118 : vector<16xi1>, vector<16xi32>
        %add3A_120 = arith.addi %add3A_106, %select_n3A_119 : vector<16xi32>
        %mul3A_121 = arith.constant 64 : i32
        %mul3A_122 = arith.muli %scan3A_79, %mul3A_121 : i32
        %add3A_123 = arith.constant 48 : i32
        %add3A_124 = arith.addi %mul3A_122, %add3A_123 : i32
        %get3A_125 = arith.index_cast %add3A_124 : i32 to index
        %get3A_126 = tpu.vector_load %arg11[%get3A_125] {strides = array<i32>} : memref<2048xi32, #tpu.memory_space<vmem>>, vector<16xi32>,
        %gt3A_127 = vector.broadcast %scan3A_48#0 : i32 to vector<16xi32>
        %gt3A_128 = arith.cmpi sgt, %get3A_126, %gt3A_127 : vector<16xi32>
        %jit3A_129 = arith.constant 1 : i32
        %jit3A_130 = arith.constant 0 : i32
        %broadcast_in_dim3A_131 = vector.broadcast %jit3A_129 : i32 to vector<16xi32>
        %broadcast_in_dim3A_132 = vector.broadcast %jit3A_130 : i32 to vector<16xi32>
        %select_n3A_133 = arith.select %gt3A_128, %broadcast_in_dim3A_131, %broadcast_in_dim3A_132 : vector<16xi1>, vector<16xi32>
        %add3A_134 = arith.addi %add3A_120, %select_n3A_133 : vector<16xi32>
        scf.yield %add3A_134 : vector<16xi32>
      }
      %scan3A_56 = arith.constant 32 : i32
      %reduce_sum3A = arith.constant true
      %reduce_sum3A_57 = vector.broadcast %reduce_sum3A : i1 to vector<16xi1>
      %reduce_sum3A_58 = tpu.scan <sum>, %scan3A_55 masked %reduce_sum3A_57 : vector<16xi32>, vector<16xi1> -> vector<16xi32>
      %reduce_sum3A_59 = vector.extract %reduce_sum3A_58[15] : i32 from vector<16xi32>
      %sub3A_60 = arith.constant 128 : i32
      %sub3A_61 = arith.subi %sub3A_60, %reduce_sum3A_59 : i32
      %scan3A_62 = arith.constant 0 : i32
      %scan3A_63 = arith.constant 0 : i32
      %scan3A_64 = arith.constant 0 : i32
      %scan3A_65 = arith.constant 128 : i32
      %scan3A_66 = arith.addi %scan3A_64, %scan3A_65 : i32
      %scan3A_67 = arith.constant 1 : i32
      %scan3A_68:2 = scf.for %scan3A_79 = %scan3A_64 to %scan3A_66 step %scan3A_67 iter_args(%scan3A_80 = %scan3A_62, %scan3A_81 = %scan3A_63) -> (i32, i32)  : i32 {
        %mul3A_82 = arith.constant 16 : i32
        %mul3A_83 = arith.muli %scan3A_79, %mul3A_82 : i32
        %get3A = arith.index_cast %mul3A_83 : i32 to index
        %get3A_84 = tpu.vector_load %arg11[%get3A] {strides = array<i32>} : memref<2048xi32, #tpu.memory_space<vmem>>, vector<16xi32>,
        %gt3A = vector.broadcast %scan3A_48#0 : i32 to vector<16xi32>
        %gt3A_85 = arith.cmpi sgt, %get3A_84, %gt3A : vector<16xi32>
        %eq3A_86 = vector.broadcast %scan3A_48#0 : i32 to vector<16xi32>
        %eq3A_87 = arith.cmpi eq, %get3A_84, %eq3A_86 : vector<16xi32>
        %jit3A_88 = arith.constant 1 : i32
        %jit3A_89 = arith.constant 0 : i32
        %broadcast_in_dim3A_90 = vector.broadcast %jit3A_88 : i32 to vector<16xi32>
        %broadcast_in_dim3A_91 = vector.broadcast %jit3A_89 : i32 to vector<16xi32>
        %select_n3A_92 = arith.select %eq3A_87, %broadcast_in_dim3A_90, %broadcast_in_dim3A_91 : vector<16xi1>, vector<16xi32>
        %broadcast_in_dim3A_93 = arith.constant true
        %broadcast_in_dim3A_94 = vector.broadcast %broadcast_in_dim3A_93 : i1 to vector<16xi1>
        %masked_cumsum3A = tpu.scan <sum>, %select_n3A_92 masked %broadcast_in_dim3A_94 : vector<16xi32>, vector<16xi1> -> vector<16xi32>
        %add3A_95 = vector.broadcast %scan3A_81 : i32 to vector<16xi32>
        %add3A_96 = arith.addi %add3A_95, %masked_cumsum3A : vector<16xi32>
        %sub3A_97 = arith.subi %add3A_96, %select_n3A_92 : vector<16xi32>
        %lt3A_98 = vector.broadcast %sub3A_61 : i32 to vector<16xi32>
        %lt3A_99 = arith.cmpi slt, %sub3A_97, %lt3A_98 : vector<16xi32>
        %and3A_100 = arith.andi %eq3A_87, %lt3A_99 : vector<16xi1>
        %or3A = arith.ori %gt3A_85, %and3A_100 : vector<16xi1>
        %jit3A_101 = arith.constant 1 : i32
        %jit3A_102 = arith.constant 0 : i32
        %broadcast_in_dim3A_103 = vector.broadcast %jit3A_101 : i32 to vector<16xi32>
        %broadcast_in_dim3A_104 = vector.broadcast %jit3A_102 : i32 to vector<16xi32>
        %select_n3A_105 = arith.select %or3A, %broadcast_in_dim3A_103, %broadcast_in_dim3A_104 : vector<16xi1>, vector<16xi32>
        %broadcast_in_dim3A_106 = arith.constant true
        %broadcast_in_dim3A_107 = vector.broadcast %broadcast_in_dim3A_106 : i1 to vector<16xi1>
        %masked_cumsum3A_108 = tpu.scan <sum>, %select_n3A_105 masked %broadcast_in_dim3A_107 : vector<16xi32>, vector<16xi1> -> vector<16xi32>
        %add3A_109 = vector.broadcast %scan3A_80 : i32 to vector<16xi32>
        %add3A_110 = arith.addi %add3A_109, %masked_cumsum3A_108 : vector<16xi32>
        %sub3A_111 = arith.subi %add3A_110, %select_n3A_105 : vector<16xi32>
        %mul3A_112 = arith.constant 16 : i32
        %mul3A_113 = arith.muli %scan3A_79, %mul3A_112 : i32
        %get3A_114 = arith.index_cast %mul3A_113 : i32 to index
        %get3A_115 = tpu.vector_load %arg11[%get3A_114] {strides = array<i32>} : memref<2048xi32, #tpu.memory_space<vmem>>, vector<16xi32>,
        %mul3A_116 = arith.constant 2048 : i32
        %mul3A_117 = arith.muli %select_n3A_31, %mul3A_116 : i32
        %mul3A_118 = arith.constant 16 : i32
        %mul3A_119 = arith.muli %scan3A_79, %mul3A_118 : i32
        %add3A_120 = arith.addi %mul3A_117, %mul3A_119 : i32
        %iota3A = tpu.iota {dimensions = array<i32: 0>} : vector<16xi32>
        %add3A_121 = vector.broadcast %add3A_120 : i32 to vector<16xi32>
        %add3A_122 = arith.addi %add3A_121, %iota3A : vector<16xi32>
        tpu.vector_store_idx %arg12[%sub3A_111], %get3A_115 masked %or3A : memref<128xi32, #tpu.memory_space<vmem>>[vector<16xi32>], vector<16xi32>, vector<16xi1>
        tpu.vector_store_idx %arg13[%sub3A_111], %add3A_122 masked %or3A : memref<128xi32, #tpu.memory_space<vmem>>[vector<16xi32>], vector<16xi32>, vector<16xi1>
        %reduce_sum3A_123 = arith.constant true
        %reduce_sum3A_124 = vector.broadcast %reduce_sum3A_123 : i1 to vector<16xi1>
        %reduce_sum3A_125 = tpu.scan <sum>, %select_n3A_105 masked %reduce_sum3A_124 : vector<16xi32>, vector<16xi1> -> vector<16xi32>
        %reduce_sum3A_126 = vector.extract %reduce_sum3A_125[15] : i32 from vector<16xi32>
        %add3A_127 = arith.addi %scan3A_80, %reduce_sum3A_126 : i32
        %reduce_sum3A_128 = arith.constant true
        %reduce_sum3A_129 = vector.broadcast %reduce_sum3A_128 : i1 to vector<16xi1>
        %reduce_sum3A_130 = tpu.scan <sum>, %select_n3A_92 masked %reduce_sum3A_129 : vector<16xi32>, vector<16xi1> -> vector<16xi32>
        %reduce_sum3A_131 = vector.extract %reduce_sum3A_130[15] : i32 from vector<16xi32>
        %add3A_132 = arith.addi %scan3A_81, %reduce_sum3A_131 : i32
        scf.yield %add3A_127, %add3A_132 : i32, i32
      }
      %scan3A_69 = arith.constant 128 : i32
      %mul3A_70 = arith.constant 128 : i32
      %mul3A_71 = arith.muli %arg1, %mul3A_70 : i32
      "tpu.region"() ({
        %run_scoped3A = tpu.sem_alloc : memref<!tpu.dma_semaphore, #tpu.memory_space<semaphore_mem>>
        %dma_start3A = tpu.memref_slice %arg14[%mul3A_71] : memref<2048xi32, #tpu.memory_space<vmem_shared>> -> memref<128xi32, #tpu.memory_space<vmem_shared>>
        %dma_start3A_79 = tpu.memref_slice %arg14[%mul3A_71] : memref<2048xi32, #tpu.memory_space<vmem_shared>> -> memref<128xi32, #tpu.memory_space<vmem_shared>>
        tpu.enqueue_dma source(%arg12 : memref<128xi32, #tpu.memory_space<vmem>>) target(%dma_start3A_79 : memref<128xi32, #tpu.memory_space<vmem_shared>>) target_semaphore(%run_scoped3A : memref<!tpu.dma_semaphore, #tpu.memory_space<semaphore_mem>>)
        %dma_wait3A = tpu.memref_slice %arg14[%mul3A_71] : memref<2048xi32, #tpu.memory_space<vmem_shared>> -> memref<128xi32, #tpu.memory_space<vmem_shared>>
        %dma_wait3A_80 = tpu.memref_slice %arg14[%mul3A_71] : memref<2048xi32, #tpu.memory_space<vmem_shared>> -> memref<128xi32, #tpu.memory_space<vmem_shared>>
        tpu.wait_dma2 semaphore(%run_scoped3A : memref<!tpu.dma_semaphore, #tpu.memory_space<semaphore_mem>>) src(%arg12 : memref<128xi32, #tpu.memory_space<vmem>>) dst(%dma_wait3A_80 : memref<128xi32, #tpu.memory_space<vmem_shared>>)
        tpu.yield
      }) : () -> ()
      %mul3A_72 = arith.constant 128 : i32
      %mul3A_73 = arith.muli %arg1, %mul3A_72 : i32
      "tpu.region"() ({
        %run_scoped3A = tpu.sem_alloc : memref<!tpu.dma_semaphore, #tpu.memory_space<semaphore_mem>>
        %dma_start3A = tpu.memref_slice %arg15[%mul3A_73] : memref<2048xi32, #tpu.memory_space<vmem_shared>> -> memref<128xi32, #tpu.memory_space<vmem_shared>>
        %dma_start3A_79 = tpu.memref_slice %arg15[%mul3A_73] : memref<2048xi32, #tpu.memory_space<vmem_shared>> -> memref<128xi32, #tpu.memory_space<vmem_shared>>
        tpu.enqueue_dma source(%arg13 : memref<128xi32, #tpu.memory_space<vmem>>) target(%dma_start3A_79 : memref<128xi32, #tpu.memory_space<vmem_shared>>) target_semaphore(%run_scoped3A : memref<!tpu.dma_semaphore, #tpu.memory_space<semaphore_mem>>)
        %dma_wait3A = tpu.memref_slice %arg15[%mul3A_73] : memref<2048xi32, #tpu.memory_space<vmem_shared>> -> memref<128xi32, #tpu.memory_space<vmem_shared>>
        %dma_wait3A_80 = tpu.memref_slice %arg15[%mul3A_73] : memref<2048xi32, #tpu.memory_space<vmem_shared>> -> memref<128xi32, #tpu.memory_space<vmem_shared>>
        tpu.wait_dma2 semaphore(%run_scoped3A : memref<!tpu.dma_semaphore, #tpu.memory_space<semaphore_mem>>) src(%arg13 : memref<128xi32, #tpu.memory_space<vmem>>) dst(%dma_wait3A_80 : memref<128xi32, #tpu.memory_space<vmem_shared>>)
        tpu.yield
      }) : () -> ()
      %barrier3A = arith.constant 0 : index
      tpu.barrier barrier_id(%barrier3A)
      %lt3A_74 = arith.constant 4 : i32
      %lt3A_75 = arith.cmpi slt, %arg1, %lt3A_74 : i32
      %convert_element_type3A_76 = arith.extui %lt3A_75 : i1 to i32
      %cond3A_77 = arith.constant 0 : i32
      %cond3A_78 = arith.cmpi ne, %convert_element_type3A_76, %cond3A_77 : i32
      scf.if %cond3A_78 {
        %mul3A_79 = arith.constant 512 : i32
        %mul3A_80 = arith.muli %arg1, %mul3A_79 : i32
        "tpu.region"() ({
          %run_scoped3A = tpu.sem_alloc : memref<!tpu.dma_semaphore, #tpu.memory_space<semaphore_mem>>
          %dma_start3A = tpu.memref_slice %arg14[%mul3A_80] : memref<2048xi32, #tpu.memory_space<vmem_shared>> -> memref<512xi32, #tpu.memory_space<vmem_shared>>
          %dma_start3A_123 = tpu.memref_slice %arg14[%mul3A_80] : memref<2048xi32, #tpu.memory_space<vmem_shared>> -> memref<512xi32, #tpu.memory_space<vmem_shared>>
          tpu.enqueue_dma source(%dma_start3A_123 : memref<512xi32, #tpu.memory_space<vmem_shared>>) target(%arg16 : memref<512xi32, #tpu.memory_space<vmem>>) target_semaphore(%run_scoped3A : memref<!tpu.dma_semaphore, #tpu.memory_space<semaphore_mem>>)
          %dma_wait3A = tpu.memref_slice %arg14[%mul3A_80] : memref<2048xi32, #tpu.memory_space<vmem_shared>> -> memref<512xi32, #tpu.memory_space<vmem_shared>>
          %dma_wait3A_124 = tpu.memref_slice %arg14[%mul3A_80] : memref<2048xi32, #tpu.memory_space<vmem_shared>> -> memref<512xi32, #tpu.memory_space<vmem_shared>>
          tpu.wait_dma2 semaphore(%run_scoped3A : memref<!tpu.dma_semaphore, #tpu.memory_space<semaphore_mem>>) src(%dma_wait3A_124 : memref<512xi32, #tpu.memory_space<vmem_shared>>) dst(%arg16 : memref<512xi32, #tpu.memory_space<vmem>>)
          tpu.yield
        }) : () -> ()
        %mul3A_81 = arith.constant 512 : i32
        %mul3A_82 = arith.muli %arg1, %mul3A_81 : i32
        "tpu.region"() ({
          %run_scoped3A = tpu.sem_alloc : memref<!tpu.dma_semaphore, #tpu.memory_space<semaphore_mem>>
          %dma_start3A = tpu.memref_slice %arg15[%mul3A_82] : memref<2048xi32, #tpu.memory_space<vmem_shared>> -> memref<512xi32, #tpu.memory_space<vmem_shared>>
          %dma_start3A_123 = tpu.memref_slice %arg15[%mul3A_82] : memref<2048xi32, #tpu.memory_space<vmem_shared>> -> memref<512xi32, #tpu.memory_space<vmem_shared>>
          tpu.enqueue_dma source(%dma_start3A_123 : memref<512xi32, #tpu.memory_space<vmem_shared>>) target(%arg17 : memref<512xi32, #tpu.memory_space<vmem>>) target_semaphore(%run_scoped3A : memref<!tpu.dma_semaphore, #tpu.memory_space<semaphore_mem>>)
          %dma_wait3A = tpu.memref_slice %arg15[%mul3A_82] : memref<2048xi32, #tpu.memory_space<vmem_shared>> -> memref<512xi32, #tpu.memory_space<vmem_shared>>
          %dma_wait3A_124 = tpu.memref_slice %arg15[%mul3A_82] : memref<2048xi32, #tpu.memory_space<vmem_shared>> -> memref<512xi32, #tpu.memory_space<vmem_shared>>
          tpu.wait_dma2 semaphore(%run_scoped3A : memref<!tpu.dma_semaphore, #tpu.memory_space<semaphore_mem>>) src(%dma_wait3A_124 : memref<512xi32, #tpu.memory_space<vmem_shared>>) dst(%arg17 : memref<512xi32, #tpu.memory_space<vmem>>)
          tpu.yield
        }) : () -> ()
        %mul3A_83 = arith.constant 8192 : i32
        %mul3A_84 = arith.muli %arg1, %mul3A_83 : i32
        "tpu.region"() ({
          %run_scoped3A = tpu.sem_alloc : memref<!tpu.dma_semaphore, #tpu.memory_space<semaphore_mem>>
          %dma_start3A = tpu.memref_slice %arg4[%mul3A_84] : memref<32768xf32, #tpu.memory_space<hbm>> -> memref<8192xf32, #tpu.memory_space<hbm>>
          %dma_start3A_123 = tpu.memref_slice %arg4[%mul3A_84] : memref<32768xf32, #tpu.memory_space<hbm>> -> memref<8192xf32, #tpu.memory_space<hbm>>
          tpu.enqueue_dma source(%dma_start3A_123 : memref<8192xf32, #tpu.memory_space<hbm>>) target(%arg18 : memref<8192xf32, #tpu.memory_space<vmem>>) target_semaphore(%run_scoped3A : memref<!tpu.dma_semaphore, #tpu.memory_space<semaphore_mem>>)
          %dma_wait3A = tpu.memref_slice %arg4[%mul3A_84] : memref<32768xf32, #tpu.memory_space<hbm>> -> memref<8192xf32, #tpu.memory_space<hbm>>
          %dma_wait3A_124 = tpu.memref_slice %arg4[%mul3A_84] : memref<32768xf32, #tpu.memory_space<hbm>> -> memref<8192xf32, #tpu.memory_space<hbm>>
          tpu.wait_dma2 semaphore(%run_scoped3A : memref<!tpu.dma_semaphore, #tpu.memory_space<semaphore_mem>>) src(%dma_wait3A_124 : memref<8192xf32, #tpu.memory_space<hbm>>) dst(%arg18 : memref<8192xf32, #tpu.memory_space<vmem>>)
          tpu.yield
        }) : () -> ()
        %mul3A_85 = arith.constant 8192 : i32
        %mul3A_86 = arith.muli %arg1, %mul3A_85 : i32
        "tpu.region"() ({
          %run_scoped3A = tpu.sem_alloc : memref<!tpu.dma_semaphore, #tpu.memory_space<semaphore_mem>>
          %dma_start3A = tpu.memref_slice %arg5[%mul3A_86] : memref<32768xf32, #tpu.memory_space<hbm>> -> memref<8192xf32, #tpu.memory_space<hbm>>
          %dma_start3A_123 = tpu.memref_slice %arg5[%mul3A_86] : memref<32768xf32, #tpu.memory_space<hbm>> -> memref<8192xf32, #tpu.memory_space<hbm>>
          tpu.enqueue_dma source(%dma_start3A_123 : memref<8192xf32, #tpu.memory_space<hbm>>) target(%arg19 : memref<8192xf32, #tpu.memory_space<vmem>>) target_semaphore(%run_scoped3A : memref<!tpu.dma_semaphore, #tpu.memory_space<semaphore_mem>>)
          %dma_wait3A = tpu.memref_slice %arg5[%mul3A_86] : memref<32768xf32, #tpu.memory_space<hbm>> -> memref<8192xf32, #tpu.memory_space<hbm>>
          %dma_wait3A_124 = tpu.memref_slice %arg5[%mul3A_86] : memref<32768xf32, #tpu.memory_space<hbm>> -> memref<8192xf32, #tpu.memory_space<hbm>>
          tpu.wait_dma2 semaphore(%run_scoped3A : memref<!tpu.dma_semaphore, #tpu.memory_space<semaphore_mem>>) src(%dma_wait3A_124 : memref<8192xf32, #tpu.memory_space<hbm>>) dst(%arg19 : memref<8192xf32, #tpu.memory_space<vmem>>)
          tpu.yield
        }) : () -> ()
        %scan3A_87 = arith.constant -2147483648 : i32
        %scan3A_88 = arith.constant 2147483647 : i32
        %scan3A_89 = arith.constant 0 : i32
        %scan3A_90 = arith.constant 32 : i32
        %scan3A_91 = arith.addi %scan3A_89, %scan3A_90 : i32
        %scan3A_92 = arith.constant 1 : i32
        %scan3A_93:2 = scf.for %scan3A_123 = %scan3A_89 to %scan3A_91 step %scan3A_92 iter_args(%scan3A_124 = %scan3A_87, %scan3A_125 = %scan3A_88) -> (i32, i32)  : i32 {
          %and3A_126 = arith.andi %scan3A_124, %scan3A_125 : i32
          %xor3A = arith.xori %scan3A_124, %scan3A_125 : i32
          %shift_right_arithmetic3A = arith.constant 1 : i32
          %shift_right_arithmetic3A_127 = arith.shrsi %xor3A, %shift_right_arithmetic3A : i32
          %add3A_128 = arith.addi %and3A_126, %shift_right_arithmetic3A_127 : i32
          %broadcast_in_dim3A_129 = arith.constant 0 : i32
          %broadcast_in_dim3A_130 = vector.broadcast %broadcast_in_dim3A_129 : i32 to vector<16xi32>
          %scan3A_131 = arith.constant 0 : i32
          %scan3A_132 = arith.constant 8 : i32
          %scan3A_133 = arith.addi %scan3A_131, %scan3A_132 : i32
          %scan3A_134 = arith.constant 1 : i32
          %scan3A_135 = scf.for %scan3A_144 = %scan3A_131 to %scan3A_133 step %scan3A_134 iter_args(%scan3A_145 = %broadcast_in_dim3A_130) -> (vector<16xi32>)  : i32 {
            %mul3A_146 = arith.constant 64 : i32
            %mul3A_147 = arith.muli %scan3A_144, %mul3A_146 : i32
            %add3A_148 = arith.constant 0 : i32
            %add3A_149 = arith.addi %mul3A_147, %add3A_148 : i32
            %get3A = arith.index_cast %add3A_149 : i32 to index
            %get3A_150 = tpu.vector_load %arg16[%get3A] {strides = array<i32>} : memref<512xi32, #tpu.memory_space<vmem>>, vector<16xi32>,
            %ge3A_151 = vector.broadcast %add3A_128 : i32 to vector<16xi32>
            %ge3A_152 = arith.cmpi sge, %get3A_150, %ge3A_151 : vector<16xi32>
            %jit3A_153 = arith.constant 1 : i32
            %jit3A_154 = arith.constant 0 : i32
            %broadcast_in_dim3A_155 = vector.broadcast %jit3A_153 : i32 to vector<16xi32>
            %broadcast_in_dim3A_156 = vector.broadcast %jit3A_154 : i32 to vector<16xi32>
            %select_n3A_157 = arith.select %ge3A_152, %broadcast_in_dim3A_155, %broadcast_in_dim3A_156 : vector<16xi1>, vector<16xi32>
            %add3A_158 = arith.addi %scan3A_145, %select_n3A_157 : vector<16xi32>
            %mul3A_159 = arith.constant 64 : i32
            %mul3A_160 = arith.muli %scan3A_144, %mul3A_159 : i32
            %add3A_161 = arith.constant 16 : i32
            %add3A_162 = arith.addi %mul3A_160, %add3A_161 : i32
            %get3A_163 = arith.index_cast %add3A_162 : i32 to index
            %get3A_164 = tpu.vector_load %arg16[%get3A_163] {strides = array<i32>} : memref<512xi32, #tpu.memory_space<vmem>>, vector<16xi32>,
            %ge3A_165 = vector.broadcast %add3A_128 : i32 to vector<16xi32>
            %ge3A_166 = arith.cmpi sge, %get3A_164, %ge3A_165 : vector<16xi32>
            %jit3A_167 = arith.constant 1 : i32
            %jit3A_168 = arith.constant 0 : i32
            %broadcast_in_dim3A_169 = vector.broadcast %jit3A_167 : i32 to vector<16xi32>
            %broadcast_in_dim3A_170 = vector.broadcast %jit3A_168 : i32 to vector<16xi32>
            %select_n3A_171 = arith.select %ge3A_166, %broadcast_in_dim3A_169, %broadcast_in_dim3A_170 : vector<16xi1>, vector<16xi32>
            %add3A_172 = arith.addi %add3A_158, %select_n3A_171 : vector<16xi32>
            %mul3A_173 = arith.constant 64 : i32
            %mul3A_174 = arith.muli %scan3A_144, %mul3A_173 : i32
            %add3A_175 = arith.constant 32 : i32
            %add3A_176 = arith.addi %mul3A_174, %add3A_175 : i32
            %get3A_177 = arith.index_cast %add3A_176 : i32 to index
            %get3A_178 = tpu.vector_load %arg16[%get3A_177] {strides = array<i32>} : memref<512xi32, #tpu.memory_space<vmem>>, vector<16xi32>,
            %ge3A_179 = vector.broadcast %add3A_128 : i32 to vector<16xi32>
            %ge3A_180 = arith.cmpi sge, %get3A_178, %ge3A_179 : vector<16xi32>
            %jit3A_181 = arith.constant 1 : i32
            %jit3A_182 = arith.constant 0 : i32
            %broadcast_in_dim3A_183 = vector.broadcast %jit3A_181 : i32 to vector<16xi32>
            %broadcast_in_dim3A_184 = vector.broadcast %jit3A_182 : i32 to vector<16xi32>
            %select_n3A_185 = arith.select %ge3A_180, %broadcast_in_dim3A_183, %broadcast_in_dim3A_184 : vector<16xi1>, vector<16xi32>
            %add3A_186 = arith.addi %add3A_172, %select_n3A_185 : vector<16xi32>
            %mul3A_187 = arith.constant 64 : i32
            %mul3A_188 = arith.muli %scan3A_144, %mul3A_187 : i32
            %add3A_189 = arith.constant 48 : i32
            %add3A_190 = arith.addi %mul3A_188, %add3A_189 : i32
            %get3A_191 = arith.index_cast %add3A_190 : i32 to index
            %get3A_192 = tpu.vector_load %arg16[%get3A_191] {strides = array<i32>} : memref<512xi32, #tpu.memory_space<vmem>>, vector<16xi32>,
            %ge3A_193 = vector.broadcast %add3A_128 : i32 to vector<16xi32>
            %ge3A_194 = arith.cmpi sge, %get3A_192, %ge3A_193 : vector<16xi32>
            %jit3A_195 = arith.constant 1 : i32
            %jit3A_196 = arith.constant 0 : i32
            %broadcast_in_dim3A_197 = vector.broadcast %jit3A_195 : i32 to vector<16xi32>
            %broadcast_in_dim3A_198 = vector.broadcast %jit3A_196 : i32 to vector<16xi32>
            %select_n3A_199 = arith.select %ge3A_194, %broadcast_in_dim3A_197, %broadcast_in_dim3A_198 : vector<16xi1>, vector<16xi32>
            %add3A_200 = arith.addi %add3A_186, %select_n3A_199 : vector<16xi32>
            scf.yield %add3A_200 : vector<16xi32>
          }
          %scan3A_136 = arith.constant 8 : i32
          %reduce_sum3A_137 = arith.constant true
          %reduce_sum3A_138 = vector.broadcast %reduce_sum3A_137 : i1 to vector<16xi1>
          %reduce_sum3A_139 = tpu.scan <sum>, %scan3A_135 masked %reduce_sum3A_138 : vector<16xi32>, vector<16xi1> -> vector<16xi32>
          %reduce_sum3A_140 = vector.extract %reduce_sum3A_139[15] : i32 from vector<16xi32>
          %ge3A = arith.constant 128 : i32
          %ge3A_141 = arith.cmpi sge, %reduce_sum3A_140, %ge3A : i32
          %select_n3A_142 = arith.select %ge3A_141, %add3A_128, %scan3A_124 : i32
          %select_n3A_143 = arith.select %ge3A_141, %scan3A_125, %add3A_128 : i32
          scf.yield %select_n3A_142, %select_n3A_143 : i32, i32
        }
        %scan3A_94 = arith.constant 32 : i32
        %broadcast_in_dim3A_95 = arith.constant 0 : i32
        %broadcast_in_dim3A_96 = vector.broadcast %broadcast_in_dim3A_95 : i32 to vector<16xi32>
        %scan3A_97 = arith.constant 0 : i32
        %scan3A_98 = arith.constant 8 : i32
        %scan3A_99 = arith.addi %scan3A_97, %scan3A_98 : i32
        %scan3A_100 = arith.constant 1 : i32
        %scan3A_101 = scf.for %scan3A_123 = %scan3A_97 to %scan3A_99 step %scan3A_100 iter_args(%scan3A_124 = %broadcast_in_dim3A_96) -> (vector<16xi32>)  : i32 {
          %mul3A_125 = arith.constant 64 : i32
          %mul3A_126 = arith.muli %scan3A_123, %mul3A_125 : i32
          %add3A_127 = arith.constant 0 : i32
          %add3A_128 = arith.addi %mul3A_126, %add3A_127 : i32
          %get3A = arith.index_cast %add3A_128 : i32 to index
          %get3A_129 = tpu.vector_load %arg16[%get3A] {strides = array<i32>} : memref<512xi32, #tpu.memory_space<vmem>>, vector<16xi32>,
          %gt3A = vector.broadcast %scan3A_93#0 : i32 to vector<16xi32>
          %gt3A_130 = arith.cmpi sgt, %get3A_129, %gt3A : vector<16xi32>
          %jit3A_131 = arith.constant 1 : i32
          %jit3A_132 = arith.constant 0 : i32
          %broadcast_in_dim3A_133 = vector.broadcast %jit3A_131 : i32 to vector<16xi32>
          %broadcast_in_dim3A_134 = vector.broadcast %jit3A_132 : i32 to vector<16xi32>
          %select_n3A_135 = arith.select %gt3A_130, %broadcast_in_dim3A_133, %broadcast_in_dim3A_134 : vector<16xi1>, vector<16xi32>
          %add3A_136 = arith.addi %scan3A_124, %select_n3A_135 : vector<16xi32>
          %mul3A_137 = arith.constant 64 : i32
          %mul3A_138 = arith.muli %scan3A_123, %mul3A_137 : i32
          %add3A_139 = arith.constant 16 : i32
          %add3A_140 = arith.addi %mul3A_138, %add3A_139 : i32
          %get3A_141 = arith.index_cast %add3A_140 : i32 to index
          %get3A_142 = tpu.vector_load %arg16[%get3A_141] {strides = array<i32>} : memref<512xi32, #tpu.memory_space<vmem>>, vector<16xi32>,
          %gt3A_143 = vector.broadcast %scan3A_93#0 : i32 to vector<16xi32>
          %gt3A_144 = arith.cmpi sgt, %get3A_142, %gt3A_143 : vector<16xi32>
          %jit3A_145 = arith.constant 1 : i32
          %jit3A_146 = arith.constant 0 : i32
          %broadcast_in_dim3A_147 = vector.broadcast %jit3A_145 : i32 to vector<16xi32>
          %broadcast_in_dim3A_148 = vector.broadcast %jit3A_146 : i32 to vector<16xi32>
          %select_n3A_149 = arith.select %gt3A_144, %broadcast_in_dim3A_147, %broadcast_in_dim3A_148 : vector<16xi1>, vector<16xi32>
          %add3A_150 = arith.addi %add3A_136, %select_n3A_149 : vector<16xi32>
          %mul3A_151 = arith.constant 64 : i32
          %mul3A_152 = arith.muli %scan3A_123, %mul3A_151 : i32
          %add3A_153 = arith.constant 32 : i32
          %add3A_154 = arith.addi %mul3A_152, %add3A_153 : i32
          %get3A_155 = arith.index_cast %add3A_154 : i32 to index
          %get3A_156 = tpu.vector_load %arg16[%get3A_155] {strides = array<i32>} : memref<512xi32, #tpu.memory_space<vmem>>, vector<16xi32>,
          %gt3A_157 = vector.broadcast %scan3A_93#0 : i32 to vector<16xi32>
          %gt3A_158 = arith.cmpi sgt, %get3A_156, %gt3A_157 : vector<16xi32>
          %jit3A_159 = arith.constant 1 : i32
          %jit3A_160 = arith.constant 0 : i32
          %broadcast_in_dim3A_161 = vector.broadcast %jit3A_159 : i32 to vector<16xi32>
          %broadcast_in_dim3A_162 = vector.broadcast %jit3A_160 : i32 to vector<16xi32>
          %select_n3A_163 = arith.select %gt3A_158, %broadcast_in_dim3A_161, %broadcast_in_dim3A_162 : vector<16xi1>, vector<16xi32>
          %add3A_164 = arith.addi %add3A_150, %select_n3A_163 : vector<16xi32>
          %mul3A_165 = arith.constant 64 : i32
          %mul3A_166 = arith.muli %scan3A_123, %mul3A_165 : i32
          %add3A_167 = arith.constant 48 : i32
          %add3A_168 = arith.addi %mul3A_166, %add3A_167 : i32
          %get3A_169 = arith.index_cast %add3A_168 : i32 to index
          %get3A_170 = tpu.vector_load %arg16[%get3A_169] {strides = array<i32>} : memref<512xi32, #tpu.memory_space<vmem>>, vector<16xi32>,
          %gt3A_171 = vector.broadcast %scan3A_93#0 : i32 to vector<16xi32>
          %gt3A_172 = arith.cmpi sgt, %get3A_170, %gt3A_171 : vector<16xi32>
          %jit3A_173 = arith.constant 1 : i32
          %jit3A_174 = arith.constant 0 : i32
          %broadcast_in_dim3A_175 = vector.broadcast %jit3A_173 : i32 to vector<16xi32>
          %broadcast_in_dim3A_176 = vector.broadcast %jit3A_174 : i32 to vector<16xi32>
          %select_n3A_177 = arith.select %gt3A_172, %broadcast_in_dim3A_175, %broadcast_in_dim3A_176 : vector<16xi1>, vector<16xi32>
          %add3A_178 = arith.addi %add3A_164, %select_n3A_177 : vector<16xi32>
          scf.yield %add3A_178 : vector<16xi32>
        }
        %scan3A_102 = arith.constant 8 : i32
        %reduce_sum3A_103 = arith.constant true
        %reduce_sum3A_104 = vector.broadcast %reduce_sum3A_103 : i1 to vector<16xi1>
        %reduce_sum3A_105 = tpu.scan <sum>, %scan3A_101 masked %reduce_sum3A_104 : vector<16xi32>, vector<16xi1> -> vector<16xi32>
        %reduce_sum3A_106 = vector.extract %reduce_sum3A_105[15] : i32 from vector<16xi32>
        %sub3A_107 = arith.constant 128 : i32
        %sub3A_108 = arith.subi %sub3A_107, %reduce_sum3A_106 : i32
        %scan3A_109 = arith.constant 0 : i32
        %scan3A_110 = arith.constant 0 : i32
        %scan3A_111 = arith.constant 0 : i32
        %scan3A_112 = arith.constant 32 : i32
        %scan3A_113 = arith.addi %scan3A_111, %scan3A_112 : i32
        %scan3A_114 = arith.constant 1 : i32
        %scan3A_115:2 = scf.for %scan3A_123 = %scan3A_111 to %scan3A_113 step %scan3A_114 iter_args(%scan3A_124 = %scan3A_109, %scan3A_125 = %scan3A_110) -> (i32, i32)  : i32 {
          %mul3A_126 = arith.constant 16 : i32
          %mul3A_127 = arith.muli %scan3A_123, %mul3A_126 : i32
          %get3A = arith.index_cast %mul3A_127 : i32 to index
          %get3A_128 = tpu.vector_load %arg16[%get3A] {strides = array<i32>} : memref<512xi32, #tpu.memory_space<vmem>>, vector<16xi32>,
          %gt3A = vector.broadcast %scan3A_93#0 : i32 to vector<16xi32>
          %gt3A_129 = arith.cmpi sgt, %get3A_128, %gt3A : vector<16xi32>
          %eq3A_130 = vector.broadcast %scan3A_93#0 : i32 to vector<16xi32>
          %eq3A_131 = arith.cmpi eq, %get3A_128, %eq3A_130 : vector<16xi32>
          %jit3A_132 = arith.constant 1 : i32
          %jit3A_133 = arith.constant 0 : i32
          %broadcast_in_dim3A_134 = vector.broadcast %jit3A_132 : i32 to vector<16xi32>
          %broadcast_in_dim3A_135 = vector.broadcast %jit3A_133 : i32 to vector<16xi32>
          %select_n3A_136 = arith.select %eq3A_131, %broadcast_in_dim3A_134, %broadcast_in_dim3A_135 : vector<16xi1>, vector<16xi32>
          %broadcast_in_dim3A_137 = arith.constant true
          %broadcast_in_dim3A_138 = vector.broadcast %broadcast_in_dim3A_137 : i1 to vector<16xi1>
          %masked_cumsum3A = tpu.scan <sum>, %select_n3A_136 masked %broadcast_in_dim3A_138 : vector<16xi32>, vector<16xi1> -> vector<16xi32>
          %add3A_139 = vector.broadcast %scan3A_125 : i32 to vector<16xi32>
          %add3A_140 = arith.addi %add3A_139, %masked_cumsum3A : vector<16xi32>
          %sub3A_141 = arith.subi %add3A_140, %select_n3A_136 : vector<16xi32>
          %lt3A_142 = vector.broadcast %sub3A_108 : i32 to vector<16xi32>
          %lt3A_143 = arith.cmpi slt, %sub3A_141, %lt3A_142 : vector<16xi32>
          %and3A_144 = arith.andi %eq3A_131, %lt3A_143 : vector<16xi1>
          %or3A = arith.ori %gt3A_129, %and3A_144 : vector<16xi1>
          %jit3A_145 = arith.constant 1 : i32
          %jit3A_146 = arith.constant 0 : i32
          %broadcast_in_dim3A_147 = vector.broadcast %jit3A_145 : i32 to vector<16xi32>
          %broadcast_in_dim3A_148 = vector.broadcast %jit3A_146 : i32 to vector<16xi32>
          %select_n3A_149 = arith.select %or3A, %broadcast_in_dim3A_147, %broadcast_in_dim3A_148 : vector<16xi1>, vector<16xi32>
          %broadcast_in_dim3A_150 = arith.constant true
          %broadcast_in_dim3A_151 = vector.broadcast %broadcast_in_dim3A_150 : i1 to vector<16xi1>
          %masked_cumsum3A_152 = tpu.scan <sum>, %select_n3A_149 masked %broadcast_in_dim3A_151 : vector<16xi32>, vector<16xi1> -> vector<16xi32>
          %add3A_153 = vector.broadcast %scan3A_124 : i32 to vector<16xi32>
          %add3A_154 = arith.addi %add3A_153, %masked_cumsum3A_152 : vector<16xi32>
          %sub3A_155 = arith.subi %add3A_154, %select_n3A_149 : vector<16xi32>
          %mul3A_156 = arith.constant 16 : i32
          %mul3A_157 = arith.muli %scan3A_123, %mul3A_156 : i32
          %get3A_158 = arith.index_cast %mul3A_157 : i32 to index
          %get3A_159 = tpu.vector_load %arg17[%get3A_158] {strides = array<i32>} : memref<512xi32, #tpu.memory_space<vmem>>, vector<16xi32>,
          %gather3A = tpu.vector_load_idx %arg18[%get3A_159] : memref<8192xf32, #tpu.memory_space<vmem>>[vector<16xi32>], vector<16xf32>,
          %gather3A_160 = tpu.vector_load_idx %arg19[%get3A_159] : memref<8192xf32, #tpu.memory_space<vmem>>[vector<16xi32>], vector<16xf32>,
          %convert_element_type3A_161 = arith.sitofp %get3A_159 : vector<16xi32> to vector<16xf32>
          tpu.vector_store_idx %arg20[%sub3A_155], %convert_element_type3A_161 masked %or3A : memref<128xf32, #tpu.memory_space<vmem>>[vector<16xi32>], vector<16xf32>, vector<16xi1>
          tpu.vector_store_idx %arg21[%sub3A_155], %gather3A masked %or3A : memref<128xf32, #tpu.memory_space<vmem>>[vector<16xi32>], vector<16xf32>, vector<16xi1>
          tpu.vector_store_idx %arg22[%sub3A_155], %gather3A_160 masked %or3A : memref<128xf32, #tpu.memory_space<vmem>>[vector<16xi32>], vector<16xf32>, vector<16xi1>
          %reduce_sum3A_162 = arith.constant true
          %reduce_sum3A_163 = vector.broadcast %reduce_sum3A_162 : i1 to vector<16xi1>
          %reduce_sum3A_164 = tpu.scan <sum>, %select_n3A_149 masked %reduce_sum3A_163 : vector<16xi32>, vector<16xi1> -> vector<16xi32>
          %reduce_sum3A_165 = vector.extract %reduce_sum3A_164[15] : i32 from vector<16xi32>
          %add3A_166 = arith.addi %scan3A_124, %reduce_sum3A_165 : i32
          %reduce_sum3A_167 = arith.constant true
          %reduce_sum3A_168 = vector.broadcast %reduce_sum3A_167 : i1 to vector<16xi1>
          %reduce_sum3A_169 = tpu.scan <sum>, %select_n3A_136 masked %reduce_sum3A_168 : vector<16xi32>, vector<16xi1> -> vector<16xi32>
          %reduce_sum3A_170 = vector.extract %reduce_sum3A_169[15] : i32 from vector<16xi32>
          %add3A_171 = arith.addi %scan3A_125, %reduce_sum3A_170 : i32
          scf.yield %add3A_166, %add3A_171 : i32, i32
        }
        %scan3A_116 = arith.constant 32 : i32
        %mul3A_117 = arith.constant 128 : i32
        %mul3A_118 = arith.muli %arg1, %mul3A_117 : i32
        "tpu.region"() ({
          %run_scoped3A = tpu.sem_alloc : memref<!tpu.dma_semaphore, #tpu.memory_space<semaphore_mem>>
          %dma_start3A = tpu.memref_slice %arg6[%mul3A_118] : memref<512xf32, #tpu.memory_space<hbm>> -> memref<128xf32, #tpu.memory_space<hbm>>
          %dma_start3A_123 = tpu.memref_slice %arg6[%mul3A_118] : memref<512xf32, #tpu.memory_space<hbm>> -> memref<128xf32, #tpu.memory_space<hbm>>
          tpu.enqueue_dma source(%arg20 : memref<128xf32, #tpu.memory_space<vmem>>) target(%dma_start3A_123 : memref<128xf32, #tpu.memory_space<hbm>>) target_semaphore(%run_scoped3A : memref<!tpu.dma_semaphore, #tpu.memory_space<semaphore_mem>>)
          %dma_wait3A = tpu.memref_slice %arg6[%mul3A_118] : memref<512xf32, #tpu.memory_space<hbm>> -> memref<128xf32, #tpu.memory_space<hbm>>
          %dma_wait3A_124 = tpu.memref_slice %arg6[%mul3A_118] : memref<512xf32, #tpu.memory_space<hbm>> -> memref<128xf32, #tpu.memory_space<hbm>>
          tpu.wait_dma2 semaphore(%run_scoped3A : memref<!tpu.dma_semaphore, #tpu.memory_space<semaphore_mem>>) src(%arg20 : memref<128xf32, #tpu.memory_space<vmem>>) dst(%dma_wait3A_124 : memref<128xf32, #tpu.memory_space<hbm>>)
          tpu.yield
        }) : () -> ()
        %mul3A_119 = arith.constant 128 : i32
        %mul3A_120 = arith.muli %arg1, %mul3A_119 : i32
        "tpu.region"() ({
          %run_scoped3A = tpu.sem_alloc : memref<!tpu.dma_semaphore, #tpu.memory_space<semaphore_mem>>
          %dma_start3A = tpu.memref_slice %arg7[%mul3A_120] : memref<512xf32, #tpu.memory_space<hbm>> -> memref<128xf32, #tpu.memory_space<hbm>>
          %dma_start3A_123 = tpu.memref_slice %arg7[%mul3A_120] : memref<512xf32, #tpu.memory_space<hbm>> -> memref<128xf32, #tpu.memory_space<hbm>>
          tpu.enqueue_dma source(%arg21 : memref<128xf32, #tpu.memory_space<vmem>>) target(%dma_start3A_123 : memref<128xf32, #tpu.memory_space<hbm>>) target_semaphore(%run_scoped3A : memref<!tpu.dma_semaphore, #tpu.memory_space<semaphore_mem>>)
          %dma_wait3A = tpu.memref_slice %arg7[%mul3A_120] : memref<512xf32, #tpu.memory_space<hbm>> -> memref<128xf32, #tpu.memory_space<hbm>>
          %dma_wait3A_124 = tpu.memref_slice %arg7[%mul3A_120] : memref<512xf32, #tpu.memory_space<hbm>> -> memref<128xf32, #tpu.memory_space<hbm>>
          tpu.wait_dma2 semaphore(%run_scoped3A : memref<!tpu.dma_semaphore, #tpu.memory_space<semaphore_mem>>) src(%arg21 : memref<128xf32, #tpu.memory_space<vmem>>) dst(%dma_wait3A_124 : memref<128xf32, #tpu.memory_space<hbm>>)
          tpu.yield
        }) : () -> ()
        %mul3A_121 = arith.constant 128 : i32
        %mul3A_122 = arith.muli %arg1, %mul3A_121 : i32
        "tpu.region"() ({
          %run_scoped3A = tpu.sem_alloc : memref<!tpu.dma_semaphore, #tpu.memory_space<semaphore_mem>>
          %dma_start3A = tpu.memref_slice %arg8[%mul3A_122] : memref<512xf32, #tpu.memory_space<hbm>> -> memref<128xf32, #tpu.memory_space<hbm>>
          %dma_start3A_123 = tpu.memref_slice %arg8[%mul3A_122] : memref<512xf32, #tpu.memory_space<hbm>> -> memref<128xf32, #tpu.memory_space<hbm>>
          tpu.enqueue_dma source(%arg22 : memref<128xf32, #tpu.memory_space<vmem>>) target(%dma_start3A_123 : memref<128xf32, #tpu.memory_space<hbm>>) target_semaphore(%run_scoped3A : memref<!tpu.dma_semaphore, #tpu.memory_space<semaphore_mem>>)
          %dma_wait3A = tpu.memref_slice %arg8[%mul3A_122] : memref<512xf32, #tpu.memory_space<hbm>> -> memref<128xf32, #tpu.memory_space<hbm>>
          %dma_wait3A_124 = tpu.memref_slice %arg8[%mul3A_122] : memref<512xf32, #tpu.memory_space<hbm>> -> memref<128xf32, #tpu.memory_space<hbm>>
          tpu.wait_dma2 semaphore(%run_scoped3A : memref<!tpu.dma_semaphore, #tpu.memory_space<semaphore_mem>>) src(%arg22 : memref<128xf32, #tpu.memory_space<vmem>>) dst(%dma_wait3A_124 : memref<128xf32, #tpu.memory_space<hbm>>)
          tpu.yield
        }) : () -> ()
      } else {
      }
    } else {
    }
    return
  }
}

module attributes {stable_mosaic.version = 14 : i64} {
  func.func @_events_body(%arg0: i32, %arg1: i32, %arg2: memref<1x128x1xf32, #tpu.memory_space<vmem>>, %arg3: memref<1x128x1xf32, #tpu.memory_space<vmem>>, %arg4: memref<1x128x1xf32, #tpu.memory_space<vmem>>, %arg5: memref<1x1x1024xf32, #tpu.memory_space<vmem>>, %arg6: memref<1x1x1024xf32, #tpu.memory_space<vmem>>, %arg7: memref<1x1x1024xf32, #tpu.memory_space<vmem>>, %arg8: memref<1x1x1024xf32, #tpu.memory_space<vmem>>, %arg9: memref<1x1024x256xf32, #tpu.memory_space<vmem>>, %arg10: memref<1x1xf32, #tpu.memory_space<smem>>, %arg11: memref<256x256xf32, #tpu.memory_space<vmem>>, %arg12: memref<1x256xf32, #tpu.memory_space<vmem>>, %arg13: memref<256x256xf32, #tpu.memory_space<vmem>>, %arg14: memref<1x256xf32, #tpu.memory_space<vmem>>, %arg15: memref<256x256xf32, #tpu.memory_space<vmem>>, %arg16: memref<1x256xf32, #tpu.memory_space<vmem>>, %arg17: memref<256x256xf32, #tpu.memory_space<vmem>>, %arg18: memref<1x256xf32, #tpu.memory_space<vmem>>, %arg19: memref<256x256xf32, #tpu.memory_space<vmem>>, %arg20: memref<1x256xf32, #tpu.memory_space<vmem>>, %arg21: memref<256x256xf32, #tpu.memory_space<vmem>>, %arg22: memref<1x256x512xf32, #tpu.memory_space<vmem>>, %arg23: memref<1x512x256xf32, #tpu.memory_space<vmem>>, %arg24: memref<1x1x512xf32, #tpu.memory_space<vmem>>, %arg25: memref<128x256xf32, #tpu.memory_space<vmem>>, %arg26: memref<128x1xf32, #tpu.memory_space<vmem>>, %arg27: memref<128x256xf32, #tpu.memory_space<vmem>>) attributes {dimension_semantics = [#tpu.dimension_semantics<arbitrary>, #tpu.dimension_semantics<arbitrary>], iteration_bounds = array<i64: 4, 8>, scalar_prefetch = 0 : i64, scratch_operands = 3 : i64, tpu.core_type = #tpu.core_type<tc>, window_params = [{transform_indices = @transform_0, window_bounds = array<i64: 1, 128, 1>}, {transform_indices = @transform_1, window_bounds = array<i64: 1, 128, 1>}, {transform_indices = @transform_2, window_bounds = array<i64: 1, 128, 1>}, {transform_indices = @transform_3, window_bounds = array<i64: 1, 1, 1024>}, {transform_indices = @transform_4, window_bounds = array<i64: 1, 1, 1024>}, {transform_indices = @transform_5, window_bounds = array<i64: 1, 1, 1024>}, {transform_indices = @transform_6, window_bounds = array<i64: 1, 1, 1024>}, {transform_indices = @transform_7, window_bounds = array<i64: 1, 1024, 256>}, {transform_indices = @transform_8, window_bounds = array<i64: 1, 1>}, {pipeline_mode = #tpu.pipeline_mode<synchronous>, transform_indices = @transform_9, window_bounds = array<i64: 256, 256>}, {pipeline_mode = #tpu.pipeline_mode<synchronous>, transform_indices = @transform_10, window_bounds = array<i64: 1, 256>}, {pipeline_mode = #tpu.pipeline_mode<synchronous>, transform_indices = @transform_11, window_bounds = array<i64: 256, 256>}, {pipeline_mode = #tpu.pipeline_mode<synchronous>, transform_indices = @transform_12, window_bounds = array<i64: 1, 256>}, {pipeline_mode = #tpu.pipeline_mode<synchronous>, transform_indices = @transform_13, window_bounds = array<i64: 256, 256>}, {pipeline_mode = #tpu.pipeline_mode<synchronous>, transform_indices = @transform_14, window_bounds = array<i64: 1, 256>}, {pipeline_mode = #tpu.pipeline_mode<synchronous>, transform_indices = @transform_15, window_bounds = array<i64: 256, 256>}, {pipeline_mode = #tpu.pipeline_mode<synchronous>, transform_indices = @transform_16, window_bounds = array<i64: 1, 256>}, {pipeline_mode = #tpu.pipeline_mode<synchronous>, transform_indices = @transform_17, window_bounds = array<i64: 256, 256>}, {pipeline_mode = #tpu.pipeline_mode<synchronous>, transform_indices = @transform_18, window_bounds = array<i64: 1, 256>}, {pipeline_mode = #tpu.pipeline_mode<synchronous>, transform_indices = @transform_19, window_bounds = array<i64: 256, 256>}, {transform_indices = @transform_20, window_bounds = array<i64: 1, 256, 512>}, {transform_indices = @transform_21, window_bounds = array<i64: 1, 512, 256>}, {transform_indices = @transform_22, window_bounds = array<i64: 1, 1, 512>}]} {
    %get3A = arith.constant 0 : index
    %get3A_0 = arith.constant 0 : index
    %get3A_1 = arith.constant 0 : index
    %get3A_2 = vector.load %arg9[%get3A, %get3A_0, %get3A_1] : memref<1x1024x256xf32, #tpu.memory_space<vmem>>, vector<1x1024x256xf32>
    %get3A_3 = vector.shape_cast %get3A_2 : vector<1x1024x256xf32> to vector<1024x256xf32>
    %get3A_4 = arith.constant 0 : index
    %get3A_5 = arith.constant 0 : index
    %get3A_6 = memref.load %arg10[%get3A_4, %get3A_5] : memref<1x1xf32, #tpu.memory_space<smem>>
    %eq3A = arith.constant 0 : i32
    %eq3A_7 = arith.cmpi eq, %arg1, %eq3A : i32
    %convert_element_type3A = arith.extui %eq3A_7 : i1 to i32
    %cond3A = arith.constant 0 : i32
    %cond3A_8 = arith.cmpi ne, %convert_element_type3A, %cond3A : i32
    scf.if %cond3A_8 {
      %broadcast_in_dim3A_107 = arith.constant 0.000000e+00 : f32
      %broadcast_in_dim3A_108 = vector.broadcast %broadcast_in_dim3A_107 : f32 to vector<128x256xf32>
      %swap3A_109 = arith.constant 0 : index
      %swap3A_110 = arith.constant 0 : index
      %swap3A_111 = vector.load %arg25[%swap3A_109, %swap3A_110] : memref<128x256xf32, #tpu.memory_space<vmem>>, vector<128x256xf32>
      tpu.vector_store %arg25[%swap3A_109, %swap3A_110], %broadcast_in_dim3A_108 {strides = array<i32>} : memref<128x256xf32, #tpu.memory_space<vmem>>, vector<128x256xf32>,
      %broadcast_in_dim3A_112 = arith.constant 0.000000e+00 : f32
      %broadcast_in_dim3A_113 = vector.broadcast %broadcast_in_dim3A_112 : f32 to vector<128x1xf32>
      %swap3A_114 = arith.constant 0 : index
      %swap3A_115 = arith.constant 0 : index
      %swap3A_116 = vector.load %arg26[%swap3A_114, %swap3A_115] : memref<128x1xf32, #tpu.memory_space<vmem>>, vector<128x1xf32>
      tpu.vector_store %arg26[%swap3A_114, %swap3A_115], %broadcast_in_dim3A_113 {strides = array<i32>} : memref<128x1xf32, #tpu.memory_space<vmem>>, vector<128x1xf32>,
      %broadcast_in_dim3A_117 = arith.constant 0.000000e+00 : f32
      %broadcast_in_dim3A_118 = vector.broadcast %broadcast_in_dim3A_117 : f32 to vector<128x256xf32>
      %swap3A_119 = arith.constant 0 : index
      %swap3A_120 = arith.constant 0 : index
      %swap3A_121 = vector.load %arg27[%swap3A_119, %swap3A_120] : memref<128x256xf32, #tpu.memory_space<vmem>>, vector<128x256xf32>
      tpu.vector_store %arg27[%swap3A_119, %swap3A_120], %broadcast_in_dim3A_118 {strides = array<i32>} : memref<128x256xf32, #tpu.memory_space<vmem>>, vector<128x256xf32>,
    } else {
    }
    %get3A_9 = arith.constant 0 : index
    %get3A_10 = arith.constant 0 : index
    %get3A_11 = arith.constant 0 : index
    %get3A_12 = vector.load %arg2[%get3A_9, %get3A_10, %get3A_11] : memref<1x128x1xf32, #tpu.memory_space<vmem>>, vector<1x128x1xf32>
    %get3A_13 = vector.shape_cast %get3A_12 : vector<1x128x1xf32> to vector<128x1xf32>
    %get3A_14 = arith.constant 0 : index
    %get3A_15 = arith.constant 0 : index
    %get3A_16 = arith.constant 0 : index
    %get3A_17 = vector.load %arg3[%get3A_14, %get3A_15, %get3A_16] : memref<1x128x1xf32, #tpu.memory_space<vmem>>, vector<1x128x1xf32>
    %get3A_18 = vector.shape_cast %get3A_17 : vector<1x128x1xf32> to vector<128x1xf32>
    %get3A_19 = arith.constant 0 : index
    %get3A_20 = arith.constant 0 : index
    %get3A_21 = arith.constant 0 : index
    %get3A_22 = vector.load %arg4[%get3A_19, %get3A_20, %get3A_21] : memref<1x128x1xf32, #tpu.memory_space<vmem>>, vector<1x128x1xf32>
    %get3A_23 = vector.shape_cast %get3A_22 : vector<1x128x1xf32> to vector<128x1xf32>
    %get3A_24 = arith.constant 0 : index
    %get3A_25 = arith.constant 0 : index
    %get3A_26 = arith.constant 0 : index
    %get3A_27 = vector.load %arg6[%get3A_24, %get3A_25, %get3A_26] : memref<1x1x1024xf32, #tpu.memory_space<vmem>>, vector<1x1x1024xf32>
    %get3A_28 = vector.shape_cast %get3A_27 : vector<1x1x1024xf32> to vector<1x1024xf32>
    %get3A_29 = arith.constant 0 : index
    %get3A_30 = arith.constant 0 : index
    %get3A_31 = arith.constant 0 : index
    %get3A_32 = vector.load %arg7[%get3A_29, %get3A_30, %get3A_31] : memref<1x1x1024xf32, #tpu.memory_space<vmem>>, vector<1x1x1024xf32>
    %get3A_33 = vector.shape_cast %get3A_32 : vector<1x1x1024xf32> to vector<1x1024xf32>
    %get3A_34 = arith.constant 0 : index
    %get3A_35 = arith.constant 0 : index
    %get3A_36 = arith.constant 0 : index
    %get3A_37 = vector.load %arg5[%get3A_34, %get3A_35, %get3A_36] : memref<1x1x1024xf32, #tpu.memory_space<vmem>>, vector<1x1x1024xf32>
    %get3A_38 = vector.shape_cast %get3A_37 : vector<1x1x1024xf32> to vector<1x1024xf32>
    %get3A_39 = arith.constant 0 : index
    %get3A_40 = arith.constant 0 : index
    %get3A_41 = arith.constant 0 : index
    %get3A_42 = vector.load %arg8[%get3A_39, %get3A_40, %get3A_41] : memref<1x1x1024xf32, #tpu.memory_space<vmem>>, vector<1x1x1024xf32>
    %get3A_43 = vector.shape_cast %get3A_42 : vector<1x1x1024xf32> to vector<1x1024xf32>
    %iota3A = tpu.iota {dimensions = array<i32: 1>} : vector<128x1024xi32>
    %mul3A = arith.constant 1024 : i32
    %mul3A_44 = arith.muli %arg1, %mul3A : i32
    %add3A = vector.broadcast %mul3A_44 : i32 to vector<128x1024xi32>
    %add3A_45 = arith.addi %iota3A, %add3A : vector<128x1024xi32>
    %convert_element_type3A_46 = arith.sitofp %add3A_45 : vector<128x1024xi32> to vector<128x1024xf32>
    %eq3A_47 = vector.broadcast %get3A_13 : vector<128x1xf32> to vector<128x1024xf32>
    %eq3A_48 = arith.cmpf oeq, %eq3A_47, %convert_element_type3A_46 : vector<128x1024xf32>
    %convert_element_type3A_49 = arith.extui %eq3A_48 : vector<128x1024xi1> to vector<128x1024xi32>
    %convert_element_type3A_50 = arith.sitofp %convert_element_type3A_49 : vector<128x1024xi32> to vector<128x1024xf32>
    %get3A_51 = arith.constant 0 : index
    %get3A_52 = arith.constant 0 : index
    %get3A_53 = vector.load %arg27[%get3A_51, %get3A_52] : memref<128x256xf32, #tpu.memory_space<vmem>>, vector<128x256xf32>
    %dot_general3A = arith.constant dense<0.000000e+00> : vector<128x256xf32>
    %dot_general3A_54 = tpu.matmul %convert_element_type3A_50, %get3A_3, %dot_general3A {dimension_numbers = #tpu.dot_dimension_numbers<[1], [0], [0], [1], [0, 0, 1, 1], [], []>, transpose_lhs_hint = false} : vector<128x1024xf32>, vector<1024x256xf32>, vector<128x256xf32> -> vector<128x256xf32>
    %add3A_55 = arith.addf %get3A_53, %dot_general3A_54 : vector<128x256xf32>
    %swap3A = arith.constant 0 : index
    %swap3A_56 = arith.constant 0 : index
    %swap3A_57 = vector.load %arg27[%swap3A, %swap3A_56] : memref<128x256xf32, #tpu.memory_space<vmem>>, vector<128x256xf32>
    tpu.vector_store %arg27[%swap3A, %swap3A_56], %add3A_55 {strides = array<i32>} : memref<128x256xf32, #tpu.memory_space<vmem>>, vector<128x256xf32>,
    %sub3A = vector.broadcast %get3A_28 : vector<1x1024xf32> to vector<128x1024xf32>
    %sub3A_58 = vector.broadcast %get3A_18 : vector<128x1xf32> to vector<128x1024xf32>
    %sub3A_59 = arith.subf %sub3A, %sub3A_58 : vector<128x1024xf32>
    %abs3A = math.absf %sub3A_59 : vector<128x1024xf32>
    %le3A = vector.broadcast %get3A_6 : f32 to vector<128x1024xf32>
    %le3A_60 = arith.cmpf ole, %abs3A, %le3A : vector<128x1024xf32>
    %convert_element_type3A_61 = arith.extui %le3A_60 : vector<128x1024xi1> to vector<128x1024xi32>
    %convert_element_type3A_62 = arith.sitofp %convert_element_type3A_61 : vector<128x1024xi32> to vector<128x1024xf32>
    %mul3A_63 = arith.constant -2.000000e+00 : f32
    %mul3A_64 = vector.broadcast %mul3A_63 : f32 to vector<128x1024xf32>
    %mul3A_65 = arith.mulf %mul3A_64, %abs3A : vector<128x1024xf32>
    %max3A = arith.constant 1.000000e-03 : f32
    %max3A_66 = arith.maximumf %get3A_6, %max3A : f32
    %div3A = vector.broadcast %max3A_66 : f32 to vector<128x1024xf32>
    %div3A_67 = arith.divf %mul3A_65, %div3A : vector<128x1024xf32>
    %exp3A = math.exp %div3A_67 : vector<128x1024xf32>
    %eq3A_68 = vector.broadcast %get3A_33 : vector<1x1024xf32> to vector<128x1024xf32>
    %eq3A_69 = vector.broadcast %get3A_23 : vector<128x1xf32> to vector<128x1024xf32>
    %eq3A_70 = arith.cmpf oeq, %eq3A_68, %eq3A_69 : vector<128x1024xf32>
    %convert_element_type3A_71 = arith.extui %eq3A_70 : vector<128x1024xi1> to vector<128x1024xi32>
    %convert_element_type3A_72 = arith.sitofp %convert_element_type3A_71 : vector<128x1024xi32> to vector<128x1024xf32>
    %mul3A_73 = arith.constant 5.000000e-01 : f32
    %mul3A_74 = vector.broadcast %mul3A_73 : f32 to vector<128x1024xf32>
    %mul3A_75 = arith.mulf %mul3A_74, %convert_element_type3A_72 : vector<128x1024xf32>
    %add3A_76 = arith.constant 5.000000e-01 : f32
    %add3A_77 = vector.broadcast %add3A_76 : f32 to vector<128x1024xf32>
    %add3A_78 = arith.addf %add3A_77, %mul3A_75 : vector<128x1024xf32>
    %mul3A_79 = arith.mulf %convert_element_type3A_62, %exp3A : vector<128x1024xf32>
    %mul3A_80 = arith.mulf %mul3A_79, %add3A_78 : vector<128x1024xf32>
    %mul3A_81 = vector.broadcast %get3A_38 : vector<1x1024xf32> to vector<128x1024xf32>
    %mul3A_82 = arith.mulf %mul3A_80, %mul3A_81 : vector<128x1024xf32>
    %mul3A_83 = vector.broadcast %get3A_43 : vector<1x1024xf32> to vector<128x1024xf32>
    %mul3A_84 = arith.mulf %mul3A_82, %mul3A_83 : vector<128x1024xf32>
    %get3A_85 = arith.constant 0 : index
    %get3A_86 = arith.constant 0 : index
    %get3A_87 = vector.load %arg25[%get3A_85, %get3A_86] : memref<128x256xf32, #tpu.memory_space<vmem>>, vector<128x256xf32>
    %dot_general3A_88 = arith.constant dense<0.000000e+00> : vector<128x256xf32>
    %dot_general3A_89 = tpu.matmul %mul3A_84, %get3A_3, %dot_general3A_88 {dimension_numbers = #tpu.dot_dimension_numbers<[1], [0], [0], [1], [0, 0, 1, 1], [], []>, transpose_lhs_hint = false} : vector<128x1024xf32>, vector<1024x256xf32>, vector<128x256xf32> -> vector<128x256xf32>
    %add3A_90 = arith.addf %get3A_87, %dot_general3A_89 : vector<128x256xf32>
    %swap3A_91 = arith.constant 0 : index
    %swap3A_92 = arith.constant 0 : index
    %swap3A_93 = vector.load %arg25[%swap3A_91, %swap3A_92] : memref<128x256xf32, #tpu.memory_space<vmem>>, vector<128x256xf32>
    tpu.vector_store %arg25[%swap3A_91, %swap3A_92], %add3A_90 {strides = array<i32>} : memref<128x256xf32, #tpu.memory_space<vmem>>, vector<128x256xf32>,
    %get3A_94 = arith.constant 0 : index
    %get3A_95 = arith.constant 0 : index
    %get3A_96 = vector.load %arg26[%get3A_94, %get3A_95] : memref<128x1xf32, #tpu.memory_space<vmem>>, vector<128x1xf32>
    %reduce_sum3A = arith.constant dense<0.000000e+00> : vector<128xf32>
    %reduce_sum3A_97 = vector.multi_reduction <add>, %mul3A_84, %reduce_sum3A [1] : vector<128x1024xf32> to vector<128xf32>
    %broadcast_in_dim3A = vector.shape_cast %reduce_sum3A_97 : vector<128xf32> to vector<128x1xf32>
    %add3A_98 = arith.addf %get3A_96, %broadcast_in_dim3A : vector<128x1xf32>
    %swap3A_99 = arith.constant 0 : index
    %swap3A_100 = arith.constant 0 : index
    %swap3A_101 = vector.load %arg26[%swap3A_99, %swap3A_100] : memref<128x1xf32, #tpu.memory_space<vmem>>, vector<128x1xf32>
    tpu.vector_store %arg26[%swap3A_99, %swap3A_100], %add3A_98 {strides = array<i32>} : memref<128x1xf32, #tpu.memory_space<vmem>>, vector<128x1xf32>,
    %eq3A_102 = arith.constant 7 : i32
    %eq3A_103 = arith.cmpi eq, %arg1, %eq3A_102 : i32
    %convert_element_type3A_104 = arith.extui %eq3A_103 : i1 to i32
    %cond3A_105 = arith.constant 0 : i32
    %cond3A_106 = arith.cmpi ne, %convert_element_type3A_104, %cond3A_105 : i32
    scf.if %cond3A_106 {
      %get3A_107 = arith.constant 0 : index
      %get3A_108 = arith.constant 0 : index
      %get3A_109 = vector.load %arg27[%get3A_107, %get3A_108] : memref<128x256xf32, #tpu.memory_space<vmem>>, vector<128x256xf32>
      %get3A_110 = arith.constant 0 : index
      %get3A_111 = arith.constant 0 : index
      %get3A_112 = vector.load %arg11[%get3A_110, %get3A_111] : memref<256x256xf32, #tpu.memory_space<vmem>>, vector<256x256xf32>
      %dot_general3A_113 = arith.constant dense<0.000000e+00> : vector<128x256xf32>
      %dot_general3A_114 = tpu.matmul %get3A_109, %get3A_112, %dot_general3A_113 {dimension_numbers = #tpu.dot_dimension_numbers<[1], [0], [0], [1], [0, 0, 1, 1], [], []>, transpose_lhs_hint = false} : vector<128x256xf32>, vector<256x256xf32>, vector<128x256xf32> -> vector<128x256xf32>
      %get3A_115 = arith.constant 0 : index
      %get3A_116 = arith.constant 0 : index
      %get3A_117 = vector.load %arg12[%get3A_115, %get3A_116] : memref<1x256xf32, #tpu.memory_space<vmem>>, vector<1x256xf32>
      %add3A_118 = vector.broadcast %get3A_117 : vector<1x256xf32> to vector<128x256xf32>
      %add3A_119 = arith.addf %dot_general3A_114, %add3A_118 : vector<128x256xf32>
      %get3A_120 = arith.constant 0 : index
      %get3A_121 = arith.constant 0 : index
      %get3A_122 = vector.load %arg25[%get3A_120, %get3A_121] : memref<128x256xf32, #tpu.memory_space<vmem>>, vector<128x256xf32>
      %get3A_123 = arith.constant 0 : index
      %get3A_124 = arith.constant 0 : index
      %get3A_125 = vector.load %arg26[%get3A_123, %get3A_124] : memref<128x1xf32, #tpu.memory_space<vmem>>, vector<128x1xf32>
      %max3A_126 = arith.constant 9.99999997E-7 : f32
      %max3A_127 = vector.broadcast %max3A_126 : f32 to vector<128x1xf32>
      %max3A_128 = arith.maximumf %get3A_125, %max3A_127 : vector<128x1xf32>
      %div3A_129 = vector.broadcast %max3A_128 : vector<128x1xf32> to vector<128x256xf32>
      %div3A_130 = arith.divf %get3A_122, %div3A_129 : vector<128x256xf32>
      %get3A_131 = arith.constant 0 : index
      %get3A_132 = arith.constant 0 : index
      %get3A_133 = vector.load %arg13[%get3A_131, %get3A_132] : memref<256x256xf32, #tpu.memory_space<vmem>>, vector<256x256xf32>
      %dot_general3A_134 = arith.constant dense<0.000000e+00> : vector<128x256xf32>
      %dot_general3A_135 = tpu.matmul %div3A_130, %get3A_133, %dot_general3A_134 {dimension_numbers = #tpu.dot_dimension_numbers<[1], [0], [0], [1], [0, 0, 1, 1], [], []>, transpose_lhs_hint = false} : vector<128x256xf32>, vector<256x256xf32>, vector<128x256xf32> -> vector<128x256xf32>
      %add3A_136 = arith.addf %add3A_119, %dot_general3A_135 : vector<128x256xf32>
      %get3A_137 = arith.constant 0 : index
      %get3A_138 = arith.constant 0 : index
      %get3A_139 = vector.load %arg14[%get3A_137, %get3A_138] : memref<1x256xf32, #tpu.memory_space<vmem>>, vector<1x256xf32>
      %add3A_140 = vector.broadcast %get3A_139 : vector<1x256xf32> to vector<128x256xf32>
      %add3A_141 = arith.addf %add3A_136, %add3A_140 : vector<128x256xf32>
      %get3A_142 = arith.constant 0 : index
      %get3A_143 = arith.constant 0 : index
      %get3A_144 = vector.load %arg15[%get3A_142, %get3A_143] : memref<256x256xf32, #tpu.memory_space<vmem>>, vector<256x256xf32>
      %dot_general3A_145 = arith.constant dense<0.000000e+00> : vector<128x256xf32>
      %dot_general3A_146 = tpu.matmul %add3A_141, %get3A_144, %dot_general3A_145 {dimension_numbers = #tpu.dot_dimension_numbers<[1], [0], [0], [1], [0, 0, 1, 1], [], []>, transpose_lhs_hint = false} : vector<128x256xf32>, vector<256x256xf32>, vector<128x256xf32> -> vector<128x256xf32>
      %get3A_147 = arith.constant 0 : index
      %get3A_148 = arith.constant 0 : index
      %get3A_149 = vector.load %arg16[%get3A_147, %get3A_148] : memref<1x256xf32, #tpu.memory_space<vmem>>, vector<1x256xf32>
      %add3A_150 = vector.broadcast %get3A_149 : vector<1x256xf32> to vector<128x256xf32>
      %add3A_151 = arith.addf %dot_general3A_146, %add3A_150 : vector<128x256xf32>
      %get3A_152 = arith.constant 0 : index
      %get3A_153 = arith.constant 0 : index
      %get3A_154 = vector.load %arg17[%get3A_152, %get3A_153] : memref<256x256xf32, #tpu.memory_space<vmem>>, vector<256x256xf32>
      %dot_general3A_155 = arith.constant dense<0.000000e+00> : vector<128x256xf32>
      %dot_general3A_156 = tpu.matmul %add3A_141, %get3A_154, %dot_general3A_155 {dimension_numbers = #tpu.dot_dimension_numbers<[1], [0], [0], [1], [0, 0, 1, 1], [], []>, transpose_lhs_hint = false} : vector<128x256xf32>, vector<256x256xf32>, vector<128x256xf32> -> vector<128x256xf32>
      %get3A_157 = arith.constant 0 : index
      %get3A_158 = arith.constant 0 : index
      %get3A_159 = vector.load %arg18[%get3A_157, %get3A_158] : memref<1x256xf32, #tpu.memory_space<vmem>>, vector<1x256xf32>
      %add3A_160 = vector.broadcast %get3A_159 : vector<1x256xf32> to vector<128x256xf32>
      %add3A_161 = arith.addf %dot_general3A_156, %add3A_160 : vector<128x256xf32>
      %slice3A = vector.extract_strided_slice %add3A_151 {offsets = [0, 0], sizes = [128, 64], strides = [1, 1]} : vector<128x256xf32> to vector<128x64xf32>
      %slice3A_162 = vector.extract_strided_slice %add3A_161 {offsets = [0, 0], sizes = [128, 64], strides = [1, 1]} : vector<128x256xf32> to vector<128x64xf32>
      %get3A_163 = arith.constant 0 : index
      %get3A_164 = arith.constant 0 : index
      %get3A_165 = vector.load %arg19[%get3A_163, %get3A_164] : memref<256x256xf32, #tpu.memory_space<vmem>>, vector<256x64xf32>
      %dot_general3A_166 = arith.constant dense<0.000000e+00> : vector<256x128xf32>
      %dot_general3A_167 = tpu.matmul %get3A_165, %slice3A, %dot_general3A_166 {dimension_numbers = #tpu.dot_dimension_numbers<[1], [1], [0], [0], [0, 0, 1, 0], [], []>, transpose_lhs_hint = false} : vector<256x64xf32>, vector<128x64xf32>, vector<256x128xf32> -> vector<256x128xf32>
      %get3A_168 = arith.constant 0 : index
      %get3A_169 = arith.constant 0 : index
      %get3A_170 = vector.load %arg20[%get3A_168, %get3A_169] : memref<1x256xf32, #tpu.memory_space<vmem>>, vector<1x64xf32>
      %dot_general3A_171 = arith.constant dense<0.000000e+00> : vector<1x128xf32>
      %dot_general3A_172 = tpu.matmul %get3A_170, %slice3A, %dot_general3A_171 {dimension_numbers = #tpu.dot_dimension_numbers<[1], [1], [0], [0], [0, 0, 1, 0], [], []>, transpose_lhs_hint = false} : vector<1x64xf32>, vector<128x64xf32>, vector<1x128xf32> -> vector<1x128xf32>
      %get3A_173 = arith.constant 0 : index
      %get3A_174 = arith.constant 0 : index
      %get3A_175 = vector.load %arg21[%get3A_173, %get3A_174] : memref<256x256xf32, #tpu.memory_space<vmem>>, vector<64x256xf32>
      %dot_general3A_176 = arith.constant dense<0.000000e+00> : vector<128x256xf32>
      %dot_general3A_177 = tpu.matmul %slice3A_162, %get3A_175, %dot_general3A_176 {dimension_numbers = #tpu.dot_dimension_numbers<[1], [0], [0], [1], [0, 0, 1, 1], [], []>, transpose_lhs_hint = false} : vector<128x64xf32>, vector<64x256xf32>, vector<128x256xf32> -> vector<128x256xf32>
      %slice3A_178 = vector.extract_strided_slice %add3A_151 {offsets = [0, 64], sizes = [128, 64], strides = [1, 1]} : vector<128x256xf32> to vector<128x64xf32>
      %slice3A_179 = vector.extract_strided_slice %add3A_161 {offsets = [0, 64], sizes = [128, 64], strides = [1, 1]} : vector<128x256xf32> to vector<128x64xf32>
      %get3A_180 = arith.constant 0 : index
      %get3A_181 = arith.constant 64 : index
      %get3A_182 = vector.load %arg19[%get3A_180, %get3A_181] : memref<256x256xf32, #tpu.memory_space<vmem>>, vector<256x64xf32>
      %dot_general3A_183 = arith.constant dense<0.000000e+00> : vector<256x128xf32>
      %dot_general3A_184 = tpu.matmul %get3A_182, %slice3A_178, %dot_general3A_183 {dimension_numbers = #tpu.dot_dimension_numbers<[1], [1], [0], [0], [0, 0, 1, 0], [], []>, transpose_lhs_hint = false} : vector<256x64xf32>, vector<128x64xf32>, vector<256x128xf32> -> vector<256x128xf32>
      %get3A_185 = arith.constant 0 : index
      %get3A_186 = arith.constant 64 : index
      %get3A_187 = vector.load %arg20[%get3A_185, %get3A_186] : memref<1x256xf32, #tpu.memory_space<vmem>>, vector<1x64xf32>
      %dot_general3A_188 = arith.constant dense<0.000000e+00> : vector<1x128xf32>
      %dot_general3A_189 = tpu.matmul %get3A_187, %slice3A_178, %dot_general3A_188 {dimension_numbers = #tpu.dot_dimension_numbers<[1], [1], [0], [0], [0, 0, 1, 0], [], []>, transpose_lhs_hint = false} : vector<1x64xf32>, vector<128x64xf32>, vector<1x128xf32> -> vector<1x128xf32>
      %get3A_190 = arith.constant 64 : index
      %get3A_191 = arith.constant 0 : index
      %get3A_192 = vector.load %arg21[%get3A_190, %get3A_191] : memref<256x256xf32, #tpu.memory_space<vmem>>, vector<64x256xf32>
      %dot_general3A_193 = arith.constant dense<0.000000e+00> : vector<128x256xf32>
      %dot_general3A_194 = tpu.matmul %slice3A_179, %get3A_192, %dot_general3A_193 {dimension_numbers = #tpu.dot_dimension_numbers<[1], [0], [0], [1], [0, 0, 1, 1], [], []>, transpose_lhs_hint = false} : vector<128x64xf32>, vector<64x256xf32>, vector<128x256xf32> -> vector<128x256xf32>
      %slice3A_195 = vector.extract_strided_slice %add3A_151 {offsets = [0, 128], sizes = [128, 64], strides = [1, 1]} : vector<128x256xf32> to vector<128x64xf32>
      %slice3A_196 = vector.extract_strided_slice %add3A_161 {offsets = [0, 128], sizes = [128, 64], strides = [1, 1]} : vector<128x256xf32> to vector<128x64xf32>
      %get3A_197 = arith.constant 0 : index
      %get3A_198 = arith.constant 128 : index
      %get3A_199 = vector.load %arg19[%get3A_197, %get3A_198] : memref<256x256xf32, #tpu.memory_space<vmem>>, vector<256x64xf32>
      %dot_general3A_200 = arith.constant dense<0.000000e+00> : vector<256x128xf32>
      %dot_general3A_201 = tpu.matmul %get3A_199, %slice3A_195, %dot_general3A_200 {dimension_numbers = #tpu.dot_dimension_numbers<[1], [1], [0], [0], [0, 0, 1, 0], [], []>, transpose_lhs_hint = false} : vector<256x64xf32>, vector<128x64xf32>, vector<256x128xf32> -> vector<256x128xf32>
      %get3A_202 = arith.constant 0 : index
      %get3A_203 = arith.constant 128 : index
      %get3A_204 = vector.load %arg20[%get3A_202, %get3A_203] : memref<1x256xf32, #tpu.memory_space<vmem>>, vector<1x64xf32>
      %dot_general3A_205 = arith.constant dense<0.000000e+00> : vector<1x128xf32>
      %dot_general3A_206 = tpu.matmul %get3A_204, %slice3A_195, %dot_general3A_205 {dimension_numbers = #tpu.dot_dimension_numbers<[1], [1], [0], [0], [0, 0, 1, 0], [], []>, transpose_lhs_hint = false} : vector<1x64xf32>, vector<128x64xf32>, vector<1x128xf32> -> vector<1x128xf32>
      %get3A_207 = arith.constant 128 : index
      %get3A_208 = arith.constant 0 : index
      %get3A_209 = vector.load %arg21[%get3A_207, %get3A_208] : memref<256x256xf32, #tpu.memory_space<vmem>>, vector<64x256xf32>
      %dot_general3A_210 = arith.constant dense<0.000000e+00> : vector<128x256xf32>
      %dot_general3A_211 = tpu.matmul %slice3A_196, %get3A_209, %dot_general3A_210 {dimension_numbers = #tpu.dot_dimension_numbers<[1], [0], [0], [1], [0, 0, 1, 1], [], []>, transpose_lhs_hint = false} : vector<128x64xf32>, vector<64x256xf32>, vector<128x256xf32> -> vector<128x256xf32>
      %slice3A_212 = vector.extract_strided_slice %add3A_151 {offsets = [0, 192], sizes = [128, 64], strides = [1, 1]} : vector<128x256xf32> to vector<128x64xf32>
      %slice3A_213 = vector.extract_strided_slice %add3A_161 {offsets = [0, 192], sizes = [128, 64], strides = [1, 1]} : vector<128x256xf32> to vector<128x64xf32>
      %get3A_214 = arith.constant 0 : index
      %get3A_215 = arith.constant 192 : index
      %get3A_216 = vector.load %arg19[%get3A_214, %get3A_215] : memref<256x256xf32, #tpu.memory_space<vmem>>, vector<256x64xf32>
      %dot_general3A_217 = arith.constant dense<0.000000e+00> : vector<256x128xf32>
      %dot_general3A_218 = tpu.matmul %get3A_216, %slice3A_212, %dot_general3A_217 {dimension_numbers = #tpu.dot_dimension_numbers<[1], [1], [0], [0], [0, 0, 1, 0], [], []>, transpose_lhs_hint = false} : vector<256x64xf32>, vector<128x64xf32>, vector<256x128xf32> -> vector<256x128xf32>
      %get3A_219 = arith.constant 0 : index
      %get3A_220 = arith.constant 192 : index
      %get3A_221 = vector.load %arg20[%get3A_219, %get3A_220] : memref<1x256xf32, #tpu.memory_space<vmem>>, vector<1x64xf32>
      %dot_general3A_222 = arith.constant dense<0.000000e+00> : vector<1x128xf32>
      %dot_general3A_223 = tpu.matmul %get3A_221, %slice3A_212, %dot_general3A_222 {dimension_numbers = #tpu.dot_dimension_numbers<[1], [1], [0], [0], [0, 0, 1, 0], [], []>, transpose_lhs_hint = false} : vector<1x64xf32>, vector<128x64xf32>, vector<1x128xf32> -> vector<1x128xf32>
      %get3A_224 = arith.constant 192 : index
      %get3A_225 = arith.constant 0 : index
      %get3A_226 = vector.load %arg21[%get3A_224, %get3A_225] : memref<256x256xf32, #tpu.memory_space<vmem>>, vector<64x256xf32>
      %dot_general3A_227 = arith.constant dense<0.000000e+00> : vector<128x256xf32>
      %dot_general3A_228 = tpu.matmul %slice3A_213, %get3A_226, %dot_general3A_227 {dimension_numbers = #tpu.dot_dimension_numbers<[1], [0], [0], [1], [0, 0, 1, 1], [], []>, transpose_lhs_hint = false} : vector<128x64xf32>, vector<64x256xf32>, vector<128x256xf32> -> vector<128x256xf32>
      %concatenate3A = tpu.concatenate %dot_general3A_167, %dot_general3A_184, %dot_general3A_201, %dot_general3A_218 in 1 : vector<256x128xf32>, vector<256x128xf32>, vector<256x128xf32>, vector<256x128xf32> -> vector<256x512xf32>
      %swap3A_229 = arith.constant 0 : index
      %swap3A_230 = arith.constant 0 : index
      %swap3A_231 = arith.constant 0 : index
      %swap3A_232 = vector.load %arg22[%swap3A_229, %swap3A_230, %swap3A_231] : memref<1x256x512xf32, #tpu.memory_space<vmem>>, vector<1x256x512xf32>
      %swap3A_233 = vector.shape_cast %swap3A_232 : vector<1x256x512xf32> to vector<256x512xf32>
      %swap3A_234 = vector.shape_cast %concatenate3A : vector<256x512xf32> to vector<1x256x512xf32>
      tpu.vector_store %arg22[%swap3A_229, %swap3A_230, %swap3A_231], %swap3A_234 {strides = array<i32>} : memref<1x256x512xf32, #tpu.memory_space<vmem>>, vector<1x256x512xf32>,
      %concatenate3A_235 = tpu.concatenate %dot_general3A_177, %dot_general3A_194, %dot_general3A_211, %dot_general3A_228 in 0 : vector<128x256xf32>, vector<128x256xf32>, vector<128x256xf32>, vector<128x256xf32> -> vector<512x256xf32>
      %swap3A_236 = arith.constant 0 : index
      %swap3A_237 = arith.constant 0 : index
      %swap3A_238 = arith.constant 0 : index
      %swap3A_239 = vector.load %arg23[%swap3A_236, %swap3A_237, %swap3A_238] : memref<1x512x256xf32, #tpu.memory_space<vmem>>, vector<1x512x256xf32>
      %swap3A_240 = vector.shape_cast %swap3A_239 : vector<1x512x256xf32> to vector<512x256xf32>
      %swap3A_241 = vector.shape_cast %concatenate3A_235 : vector<512x256xf32> to vector<1x512x256xf32>
      tpu.vector_store %arg23[%swap3A_236, %swap3A_237, %swap3A_238], %swap3A_241 {strides = array<i32>} : memref<1x512x256xf32, #tpu.memory_space<vmem>>, vector<1x512x256xf32>,
      %concatenate3A_242 = tpu.concatenate %dot_general3A_172, %dot_general3A_189, %dot_general3A_206, %dot_general3A_223 in 1 : vector<1x128xf32>, vector<1x128xf32>, vector<1x128xf32>, vector<1x128xf32> -> vector<1x512xf32>
      %swap3A_243 = arith.constant 0 : index
      %swap3A_244 = arith.constant 0 : index
      %swap3A_245 = arith.constant 0 : index
      %swap3A_246 = vector.load %arg24[%swap3A_243, %swap3A_244, %swap3A_245] : memref<1x1x512xf32, #tpu.memory_space<vmem>>, vector<1x1x512xf32>
      %swap3A_247 = vector.shape_cast %swap3A_246 : vector<1x1x512xf32> to vector<1x512xf32>
      %swap3A_248 = vector.shape_cast %concatenate3A_242 : vector<1x512xf32> to vector<1x1x512xf32>
      tpu.vector_store %arg24[%swap3A_243, %swap3A_244, %swap3A_245], %swap3A_248 {strides = array<i32>} : memref<1x1x512xf32, #tpu.memory_space<vmem>>, vector<1x1x512xf32>,
    } else {
    }
    return
  }
  func.func @transform_0(%arg0: i32, %arg1: i32) -> (i32, i32, i32) {
    %c0_i32 = arith.constant 0 : i32
    %c0_i32_0 = arith.constant 0 : i32
    %c0_i32_1 = arith.constant 0 : i32
    return %arg0, %c0_i32, %c0_i32_0 : i32, i32, i32
  }
  func.func @transform_1(%arg0: i32, %arg1: i32) -> (i32, i32, i32) {
    %c0_i32 = arith.constant 0 : i32
    %c0_i32_0 = arith.constant 0 : i32
    %c0_i32_1 = arith.constant 0 : i32
    return %arg0, %c0_i32, %c0_i32_0 : i32, i32, i32
  }
  func.func @transform_2(%arg0: i32, %arg1: i32) -> (i32, i32, i32) {
    %c0_i32 = arith.constant 0 : i32
    %c0_i32_0 = arith.constant 0 : i32
    %c0_i32_1 = arith.constant 0 : i32
    return %arg0, %c0_i32, %c0_i32_0 : i32, i32, i32
  }
  func.func @transform_3(%arg0: i32, %arg1: i32) -> (i32, i32, i32) {
    %c0_i32 = arith.constant 0 : i32
    %c0_i32_0 = arith.constant 0 : i32
    return %arg0, %c0_i32, %arg1 : i32, i32, i32
  }
  func.func @transform_4(%arg0: i32, %arg1: i32) -> (i32, i32, i32) {
    %c0_i32 = arith.constant 0 : i32
    %c0_i32_0 = arith.constant 0 : i32
    return %arg0, %c0_i32, %arg1 : i32, i32, i32
  }
  func.func @transform_5(%arg0: i32, %arg1: i32) -> (i32, i32, i32) {
    %c0_i32 = arith.constant 0 : i32
    %c0_i32_0 = arith.constant 0 : i32
    return %arg0, %c0_i32, %arg1 : i32, i32, i32
  }
  func.func @transform_6(%arg0: i32, %arg1: i32) -> (i32, i32, i32) {
    %c0_i32 = arith.constant 0 : i32
    %c0_i32_0 = arith.constant 0 : i32
    return %arg0, %c0_i32, %arg1 : i32, i32, i32
  }
  func.func @transform_7(%arg0: i32, %arg1: i32) -> (i32, i32, i32) {
    %c0_i32 = arith.constant 0 : i32
    %c0_i32_0 = arith.constant 0 : i32
    return %arg0, %arg1, %c0_i32 : i32, i32, i32
  }
  func.func @transform_8(%arg0: i32, %arg1: i32) -> (i32, i32) {
    %c0_i32 = arith.constant 0 : i32
    %c0_i32_0 = arith.constant 0 : i32
    %c0_i32_1 = arith.constant 0 : i32
    return %c0_i32, %c0_i32_0 : i32, i32
  }
  func.func @transform_9(%arg0: i32, %arg1: i32) -> (i32, i32) {
    %c0_i32 = arith.constant 0 : i32
    %c0_i32_0 = arith.constant 0 : i32
    %c0_i32_1 = arith.constant 0 : i32
    return %c0_i32, %c0_i32_0 : i32, i32
  }
  func.func @transform_10(%arg0: i32, %arg1: i32) -> (i32, i32) {
    %c0_i32 = arith.constant 0 : i32
    %c0_i32_0 = arith.constant 0 : i32
    %c0_i32_1 = arith.constant 0 : i32
    return %c0_i32, %c0_i32_0 : i32, i32
  }
  func.func @transform_11(%arg0: i32, %arg1: i32) -> (i32, i32) {
    %c0_i32 = arith.constant 0 : i32
    %c0_i32_0 = arith.constant 0 : i32
    %c0_i32_1 = arith.constant 0 : i32
    return %c0_i32, %c0_i32_0 : i32, i32
  }
  func.func @transform_12(%arg0: i32, %arg1: i32) -> (i32, i32) {
    %c0_i32 = arith.constant 0 : i32
    %c0_i32_0 = arith.constant 0 : i32
    %c0_i32_1 = arith.constant 0 : i32
    return %c0_i32, %c0_i32_0 : i32, i32
  }
  func.func @transform_13(%arg0: i32, %arg1: i32) -> (i32, i32) {
    %c0_i32 = arith.constant 0 : i32
    %c0_i32_0 = arith.constant 0 : i32
    %c0_i32_1 = arith.constant 0 : i32
    return %c0_i32, %c0_i32_0 : i32, i32
  }
  func.func @transform_14(%arg0: i32, %arg1: i32) -> (i32, i32) {
    %c0_i32 = arith.constant 0 : i32
    %c0_i32_0 = arith.constant 0 : i32
    %c0_i32_1 = arith.constant 0 : i32
    return %c0_i32, %c0_i32_0 : i32, i32
  }
  func.func @transform_15(%arg0: i32, %arg1: i32) -> (i32, i32) {
    %c0_i32 = arith.constant 0 : i32
    %c0_i32_0 = arith.constant 0 : i32
    %c0_i32_1 = arith.constant 0 : i32
    return %c0_i32, %c0_i32_0 : i32, i32
  }
  func.func @transform_16(%arg0: i32, %arg1: i32) -> (i32, i32) {
    %c0_i32 = arith.constant 0 : i32
    %c0_i32_0 = arith.constant 0 : i32
    %c0_i32_1 = arith.constant 0 : i32
    return %c0_i32, %c0_i32_0 : i32, i32
  }
  func.func @transform_17(%arg0: i32, %arg1: i32) -> (i32, i32) {
    %c0_i32 = arith.constant 0 : i32
    %c0_i32_0 = arith.constant 0 : i32
    %c0_i32_1 = arith.constant 0 : i32
    return %c0_i32, %c0_i32_0 : i32, i32
  }
  func.func @transform_18(%arg0: i32, %arg1: i32) -> (i32, i32) {
    %c0_i32 = arith.constant 0 : i32
    %c0_i32_0 = arith.constant 0 : i32
    %c0_i32_1 = arith.constant 0 : i32
    return %c0_i32, %c0_i32_0 : i32, i32
  }
  func.func @transform_19(%arg0: i32, %arg1: i32) -> (i32, i32) {
    %c0_i32 = arith.constant 0 : i32
    %c0_i32_0 = arith.constant 0 : i32
    %c0_i32_1 = arith.constant 0 : i32
    return %c0_i32, %c0_i32_0 : i32, i32
  }
  func.func @transform_20(%arg0: i32, %arg1: i32) -> (i32, i32, i32) {
    %c0_i32 = arith.constant 0 : i32
    %c0_i32_0 = arith.constant 0 : i32
    %c0_i32_1 = arith.constant 0 : i32
    return %arg0, %c0_i32, %c0_i32_0 : i32, i32, i32
  }
  func.func @transform_21(%arg0: i32, %arg1: i32) -> (i32, i32, i32) {
    %c0_i32 = arith.constant 0 : i32
    %c0_i32_0 = arith.constant 0 : i32
    %c0_i32_1 = arith.constant 0 : i32
    return %arg0, %c0_i32, %c0_i32_0 : i32, i32, i32
  }
  func.func @transform_22(%arg0: i32, %arg1: i32) -> (i32, i32, i32) {
    %c0_i32 = arith.constant 0 : i32
    %c0_i32_0 = arith.constant 0 : i32
    %c0_i32_1 = arith.constant 0 : i32
    return %arg0, %c0_i32, %c0_i32_0 : i32, i32, i32
  }
}

module attributes {stable_mosaic.version = 14 : i64} {
  func.func @_attn_body(%arg0: i32, %arg1: i32, %arg2: memref<1x1024x256xf32, #tpu.memory_space<vmem>>, %arg3: memref<1x1024x1xf32, #tpu.memory_space<vmem>>, %arg4: memref<1x1024x1xf32, #tpu.memory_space<vmem>>, %arg5: memref<1x1x128xf32, #tpu.memory_space<vmem>>, %arg6: memref<1x256x512xf32, #tpu.memory_space<vmem>>, %arg7: memref<1x512x256xf32, #tpu.memory_space<vmem>>, %arg8: memref<1x1x512xf32, #tpu.memory_space<vmem>>, %arg9: memref<1x1xf32, #tpu.memory_space<smem>>, %arg10: memref<1x256xf32, #tpu.memory_space<vmem>>, %arg11: memref<1x1024x256xf32, #tpu.memory_space<vmem>>) attributes {dimension_semantics = [#tpu.dimension_semantics<arbitrary>, #tpu.dimension_semantics<arbitrary>], iteration_bounds = array<i64: 4, 8>, scalar_prefetch = 0 : i64, scratch_operands = 0 : i64, tpu.core_type = #tpu.core_type<tc>, window_params = [{transform_indices = @transform_0, window_bounds = array<i64: 1, 1024, 256>}, {transform_indices = @transform_1, window_bounds = array<i64: 1, 1024, 1>}, {transform_indices = @transform_2, window_bounds = array<i64: 1, 1024, 1>}, {transform_indices = @transform_3, window_bounds = array<i64: 1, 1, 128>}, {transform_indices = @transform_4, window_bounds = array<i64: 1, 256, 512>}, {transform_indices = @transform_5, window_bounds = array<i64: 1, 512, 256>}, {transform_indices = @transform_6, window_bounds = array<i64: 1, 1, 512>}, {transform_indices = @transform_7, window_bounds = array<i64: 1, 1>}, {pipeline_mode = #tpu.pipeline_mode<synchronous>, transform_indices = @transform_8, window_bounds = array<i64: 1, 256>}, {transform_indices = @transform_9, window_bounds = array<i64: 1, 1024, 256>}]} {
    %get3A = arith.constant 0 : index
    %get3A_0 = arith.constant 0 : index
    %get3A_1 = arith.constant 0 : index
    %get3A_2 = vector.load %arg2[%get3A, %get3A_0, %get3A_1] : memref<1x1024x256xf32, #tpu.memory_space<vmem>>, vector<1x1024x256xf32>
    %get3A_3 = vector.shape_cast %get3A_2 : vector<1x1024x256xf32> to vector<1024x256xf32>
    %get3A_4 = arith.constant 0 : index
    %get3A_5 = arith.constant 0 : index
    %get3A_6 = arith.constant 0 : index
    %get3A_7 = vector.load %arg3[%get3A_4, %get3A_5, %get3A_6] : memref<1x1024x1xf32, #tpu.memory_space<vmem>>, vector<1x1024x1xf32>
    %get3A_8 = vector.shape_cast %get3A_7 : vector<1x1024x1xf32> to vector<1024x1xf32>
    %get3A_9 = arith.constant 0 : index
    %get3A_10 = arith.constant 0 : index
    %get3A_11 = arith.constant 0 : index
    %get3A_12 = vector.load %arg4[%get3A_9, %get3A_10, %get3A_11] : memref<1x1024x1xf32, #tpu.memory_space<vmem>>, vector<1x1024x1xf32>
    %get3A_13 = vector.shape_cast %get3A_12 : vector<1x1024x1xf32> to vector<1024x1xf32>
    %get3A_14 = arith.constant 0 : index
    %get3A_15 = arith.constant 0 : index
    %get3A_16 = arith.constant 0 : index
    %get3A_17 = vector.load %arg5[%get3A_14, %get3A_15, %get3A_16] : memref<1x1x128xf32, #tpu.memory_space<vmem>>, vector<1x1x128xf32>
    %get3A_18 = vector.shape_cast %get3A_17 : vector<1x1x128xf32> to vector<1x128xf32>
    %concatenate3A = tpu.concatenate %get3A_18, %get3A_18, %get3A_18, %get3A_18 in 1 : vector<1x128xf32>, vector<1x128xf32>, vector<1x128xf32>, vector<1x128xf32> -> vector<1x512xf32>
    %get3A_19 = arith.constant 0 : index
    %get3A_20 = arith.constant 0 : index
    %get3A_21 = arith.constant 0 : index
    %get3A_22 = vector.load %arg6[%get3A_19, %get3A_20, %get3A_21] : memref<1x256x512xf32, #tpu.memory_space<vmem>>, vector<1x256x512xf32>
    %get3A_23 = vector.shape_cast %get3A_22 : vector<1x256x512xf32> to vector<256x512xf32>
    %get3A_24 = arith.constant 0 : index
    %get3A_25 = arith.constant 0 : index
    %get3A_26 = arith.constant 0 : index
    %get3A_27 = vector.load %arg7[%get3A_24, %get3A_25, %get3A_26] : memref<1x512x256xf32, #tpu.memory_space<vmem>>, vector<1x512x256xf32>
    %get3A_28 = vector.shape_cast %get3A_27 : vector<1x512x256xf32> to vector<512x256xf32>
    %get3A_29 = arith.constant 0 : index
    %get3A_30 = arith.constant 0 : index
    %get3A_31 = arith.constant 0 : index
    %get3A_32 = vector.load %arg8[%get3A_29, %get3A_30, %get3A_31] : memref<1x1x512xf32, #tpu.memory_space<vmem>>, vector<1x1x512xf32>
    %get3A_33 = vector.shape_cast %get3A_32 : vector<1x1x512xf32> to vector<1x512xf32>
    %get3A_34 = arith.constant 0 : index
    %get3A_35 = arith.constant 0 : index
    %get3A_36 = memref.load %arg9[%get3A_34, %get3A_35] : memref<1x1xf32, #tpu.memory_space<smem>>
    %sub3A = vector.broadcast %get3A_8 : vector<1024x1xf32> to vector<1024x512xf32>
    %sub3A_37 = vector.broadcast %concatenate3A : vector<1x512xf32> to vector<1024x512xf32>
    %sub3A_38 = arith.subf %sub3A, %sub3A_37 : vector<1024x512xf32>
    %abs3A = math.absf %sub3A_38 : vector<1024x512xf32>
    %le3A = vector.broadcast %get3A_36 : f32 to vector<1024x512xf32>
    %le3A_39 = arith.cmpf ole, %abs3A, %le3A : vector<1024x512xf32>
    %ne3A = arith.constant 0.000000e+00 : f32
    %ne3A_40 = vector.broadcast %ne3A : f32 to vector<1024x1xf32>
    %ne3A_41 = arith.cmpf one, %get3A_13, %ne3A_40 : vector<1024x1xf32>
    %and3A = vector.broadcast %ne3A_41 : vector<1024x1xi1> to vector<1024x512xi1>
    %and3A_42 = arith.andi %le3A_39, %and3A : vector<1024x512xi1>
    %dot_general3A = arith.constant dense<0.000000e+00> : vector<1024x512xf32>
    %dot_general3A_43 = tpu.matmul %get3A_3, %get3A_23, %dot_general3A {dimension_numbers = #tpu.dot_dimension_numbers<[1], [0], [0], [1], [0, 0, 1, 1], [], []>, transpose_lhs_hint = false} : vector<1024x256xf32>, vector<256x512xf32>, vector<1024x512xf32> -> vector<1024x512xf32>
    %add3A = vector.broadcast %get3A_33 : vector<1x512xf32> to vector<1024x512xf32>
    %add3A_44 = arith.addf %dot_general3A_43, %add3A : vector<1024x512xf32>
    %mul3A = arith.constant 1.250000e-01 : f32
    %mul3A_45 = vector.broadcast %mul3A : f32 to vector<1024x512xf32>
    %mul3A_46 = arith.mulf %add3A_44, %mul3A_45 : vector<1024x512xf32>
    %jit3A = arith.constant -1.000000e+09 : f32
    %broadcast_in_dim3A = vector.broadcast %jit3A : f32 to vector<1024x512xf32>
    %select_n3A = arith.select %and3A_42, %mul3A_46, %broadcast_in_dim3A : vector<1024x512xi1>, vector<1024x512xf32>
    %broadcast_in_dim3A_47 = arith.constant 0.000000e+00 : f32
    %broadcast_in_dim3A_48 = vector.broadcast %broadcast_in_dim3A_47 : f32 to vector<1024x256xf32>
    %get3A_49 = arith.constant 0 : index
    %get3A_50 = arith.constant 0 : index
    %get3A_51 = vector.load %arg10[%get3A_49, %get3A_50] : memref<1x256xf32, #tpu.memory_space<vmem>>, vector<1x256xf32>
    %add3A_52 = vector.broadcast %get3A_51 : vector<1x256xf32> to vector<1024x256xf32>
    %add3A_53 = arith.addf %broadcast_in_dim3A_48, %add3A_52 : vector<1024x256xf32>
    %slice3A = vector.extract_strided_slice %select_n3A {offsets = [0, 0], sizes = [1024, 128], strides = [1, 1]} : vector<1024x512xf32> to vector<1024x128xf32>
    %reduce_max3A = arith.constant dense<0xFF800000> : vector<1024xf32>
    %reduce_max3A_54 = vector.multi_reduction <maximumf>, %slice3A, %reduce_max3A [1] : vector<1024x128xf32> to vector<1024xf32>
    %broadcast_in_dim3A_55 = vector.shape_cast %reduce_max3A_54 : vector<1024xf32> to vector<1024x1xf32>
    %sub3A_56 = vector.broadcast %broadcast_in_dim3A_55 : vector<1024x1xf32> to vector<1024x128xf32>
    %sub3A_57 = arith.subf %slice3A, %sub3A_56 : vector<1024x128xf32>
    %exp3A = math.exp %sub3A_57 : vector<1024x128xf32>
    %reduce_sum3A = arith.constant dense<0.000000e+00> : vector<1024xf32>
    %reduce_sum3A_58 = vector.multi_reduction <add>, %exp3A, %reduce_sum3A [1] : vector<1024x128xf32> to vector<1024xf32>
    %broadcast_in_dim3A_59 = vector.shape_cast %reduce_sum3A_58 : vector<1024xf32> to vector<1024x1xf32>
    %div3A = arith.constant 1.000000e+00 : f32
    %div3A_60 = vector.broadcast %div3A : f32 to vector<1024x1xf32>
    %div3A_61 = arith.divf %div3A_60, %broadcast_in_dim3A_59 : vector<1024x1xf32>
    %mul3A_62 = vector.broadcast %div3A_61 : vector<1024x1xf32> to vector<1024x128xf32>
    %mul3A_63 = arith.mulf %exp3A, %mul3A_62 : vector<1024x128xf32>
    %slice3A_64 = vector.extract_strided_slice %get3A_28 {offsets = [0, 0], sizes = [128, 256], strides = [1, 1]} : vector<512x256xf32> to vector<128x256xf32>
    %dot_general3A_65 = arith.constant dense<0.000000e+00> : vector<1024x256xf32>
    %dot_general3A_66 = tpu.matmul %mul3A_63, %slice3A_64, %dot_general3A_65 {dimension_numbers = #tpu.dot_dimension_numbers<[1], [0], [0], [1], [0, 0, 1, 1], [], []>, transpose_lhs_hint = false} : vector<1024x128xf32>, vector<128x256xf32>, vector<1024x256xf32> -> vector<1024x256xf32>
    %add3A_67 = arith.addf %add3A_53, %dot_general3A_66 : vector<1024x256xf32>
    %slice3A_68 = vector.extract_strided_slice %select_n3A {offsets = [0, 128], sizes = [1024, 128], strides = [1, 1]} : vector<1024x512xf32> to vector<1024x128xf32>
    %reduce_max3A_69 = arith.constant dense<0xFF800000> : vector<1024xf32>
    %reduce_max3A_70 = vector.multi_reduction <maximumf>, %slice3A_68, %reduce_max3A_69 [1] : vector<1024x128xf32> to vector<1024xf32>
    %broadcast_in_dim3A_71 = vector.shape_cast %reduce_max3A_70 : vector<1024xf32> to vector<1024x1xf32>
    %sub3A_72 = vector.broadcast %broadcast_in_dim3A_71 : vector<1024x1xf32> to vector<1024x128xf32>
    %sub3A_73 = arith.subf %slice3A_68, %sub3A_72 : vector<1024x128xf32>
    %exp3A_74 = math.exp %sub3A_73 : vector<1024x128xf32>
    %reduce_sum3A_75 = arith.constant dense<0.000000e+00> : vector<1024xf32>
    %reduce_sum3A_76 = vector.multi_reduction <add>, %exp3A_74, %reduce_sum3A_75 [1] : vector<1024x128xf32> to vector<1024xf32>
    %broadcast_in_dim3A_77 = vector.shape_cast %reduce_sum3A_76 : vector<1024xf32> to vector<1024x1xf32>
    %div3A_78 = arith.constant 1.000000e+00 : f32
    %div3A_79 = vector.broadcast %div3A_78 : f32 to vector<1024x1xf32>
    %div3A_80 = arith.divf %div3A_79, %broadcast_in_dim3A_77 : vector<1024x1xf32>
    %mul3A_81 = vector.broadcast %div3A_80 : vector<1024x1xf32> to vector<1024x128xf32>
    %mul3A_82 = arith.mulf %exp3A_74, %mul3A_81 : vector<1024x128xf32>
    %slice3A_83 = vector.extract_strided_slice %get3A_28 {offsets = [128, 0], sizes = [128, 256], strides = [1, 1]} : vector<512x256xf32> to vector<128x256xf32>
    %dot_general3A_84 = arith.constant dense<0.000000e+00> : vector<1024x256xf32>
    %dot_general3A_85 = tpu.matmul %mul3A_82, %slice3A_83, %dot_general3A_84 {dimension_numbers = #tpu.dot_dimension_numbers<[1], [0], [0], [1], [0, 0, 1, 1], [], []>, transpose_lhs_hint = false} : vector<1024x128xf32>, vector<128x256xf32>, vector<1024x256xf32> -> vector<1024x256xf32>
    %add3A_86 = arith.addf %add3A_67, %dot_general3A_85 : vector<1024x256xf32>
    %slice3A_87 = vector.extract_strided_slice %select_n3A {offsets = [0, 256], sizes = [1024, 128], strides = [1, 1]} : vector<1024x512xf32> to vector<1024x128xf32>
    %reduce_max3A_88 = arith.constant dense<0xFF800000> : vector<1024xf32>
    %reduce_max3A_89 = vector.multi_reduction <maximumf>, %slice3A_87, %reduce_max3A_88 [1] : vector<1024x128xf32> to vector<1024xf32>
    %broadcast_in_dim3A_90 = vector.shape_cast %reduce_max3A_89 : vector<1024xf32> to vector<1024x1xf32>
    %sub3A_91 = vector.broadcast %broadcast_in_dim3A_90 : vector<1024x1xf32> to vector<1024x128xf32>
    %sub3A_92 = arith.subf %slice3A_87, %sub3A_91 : vector<1024x128xf32>
    %exp3A_93 = math.exp %sub3A_92 : vector<1024x128xf32>
    %reduce_sum3A_94 = arith.constant dense<0.000000e+00> : vector<1024xf32>
    %reduce_sum3A_95 = vector.multi_reduction <add>, %exp3A_93, %reduce_sum3A_94 [1] : vector<1024x128xf32> to vector<1024xf32>
    %broadcast_in_dim3A_96 = vector.shape_cast %reduce_sum3A_95 : vector<1024xf32> to vector<1024x1xf32>
    %div3A_97 = arith.constant 1.000000e+00 : f32
    %div3A_98 = vector.broadcast %div3A_97 : f32 to vector<1024x1xf32>
    %div3A_99 = arith.divf %div3A_98, %broadcast_in_dim3A_96 : vector<1024x1xf32>
    %mul3A_100 = vector.broadcast %div3A_99 : vector<1024x1xf32> to vector<1024x128xf32>
    %mul3A_101 = arith.mulf %exp3A_93, %mul3A_100 : vector<1024x128xf32>
    %slice3A_102 = vector.extract_strided_slice %get3A_28 {offsets = [256, 0], sizes = [128, 256], strides = [1, 1]} : vector<512x256xf32> to vector<128x256xf32>
    %dot_general3A_103 = arith.constant dense<0.000000e+00> : vector<1024x256xf32>
    %dot_general3A_104 = tpu.matmul %mul3A_101, %slice3A_102, %dot_general3A_103 {dimension_numbers = #tpu.dot_dimension_numbers<[1], [0], [0], [1], [0, 0, 1, 1], [], []>, transpose_lhs_hint = false} : vector<1024x128xf32>, vector<128x256xf32>, vector<1024x256xf32> -> vector<1024x256xf32>
    %add3A_105 = arith.addf %add3A_86, %dot_general3A_104 : vector<1024x256xf32>
    %slice3A_106 = vector.extract_strided_slice %select_n3A {offsets = [0, 384], sizes = [1024, 128], strides = [1, 1]} : vector<1024x512xf32> to vector<1024x128xf32>
    %reduce_max3A_107 = arith.constant dense<0xFF800000> : vector<1024xf32>
    %reduce_max3A_108 = vector.multi_reduction <maximumf>, %slice3A_106, %reduce_max3A_107 [1] : vector<1024x128xf32> to vector<1024xf32>
    %broadcast_in_dim3A_109 = vector.shape_cast %reduce_max3A_108 : vector<1024xf32> to vector<1024x1xf32>
    %sub3A_110 = vector.broadcast %broadcast_in_dim3A_109 : vector<1024x1xf32> to vector<1024x128xf32>
    %sub3A_111 = arith.subf %slice3A_106, %sub3A_110 : vector<1024x128xf32>
    %exp3A_112 = math.exp %sub3A_111 : vector<1024x128xf32>
    %reduce_sum3A_113 = arith.constant dense<0.000000e+00> : vector<1024xf32>
    %reduce_sum3A_114 = vector.multi_reduction <add>, %exp3A_112, %reduce_sum3A_113 [1] : vector<1024x128xf32> to vector<1024xf32>
    %broadcast_in_dim3A_115 = vector.shape_cast %reduce_sum3A_114 : vector<1024xf32> to vector<1024x1xf32>
    %div3A_116 = arith.constant 1.000000e+00 : f32
    %div3A_117 = vector.broadcast %div3A_116 : f32 to vector<1024x1xf32>
    %div3A_118 = arith.divf %div3A_117, %broadcast_in_dim3A_115 : vector<1024x1xf32>
    %mul3A_119 = vector.broadcast %div3A_118 : vector<1024x1xf32> to vector<1024x128xf32>
    %mul3A_120 = arith.mulf %exp3A_112, %mul3A_119 : vector<1024x128xf32>
    %slice3A_121 = vector.extract_strided_slice %get3A_28 {offsets = [384, 0], sizes = [128, 256], strides = [1, 1]} : vector<512x256xf32> to vector<128x256xf32>
    %dot_general3A_122 = arith.constant dense<0.000000e+00> : vector<1024x256xf32>
    %dot_general3A_123 = tpu.matmul %mul3A_120, %slice3A_121, %dot_general3A_122 {dimension_numbers = #tpu.dot_dimension_numbers<[1], [0], [0], [1], [0, 0, 1, 1], [], []>, transpose_lhs_hint = false} : vector<1024x128xf32>, vector<128x256xf32>, vector<1024x256xf32> -> vector<1024x256xf32>
    %add3A_124 = arith.addf %add3A_105, %dot_general3A_123 : vector<1024x256xf32>
    %swap3A = arith.constant 0 : index
    %swap3A_125 = arith.constant 0 : index
    %swap3A_126 = arith.constant 0 : index
    %swap3A_127 = vector.load %arg11[%swap3A, %swap3A_125, %swap3A_126] : memref<1x1024x256xf32, #tpu.memory_space<vmem>>, vector<1x1024x256xf32>
    %swap3A_128 = vector.shape_cast %swap3A_127 : vector<1x1024x256xf32> to vector<1024x256xf32>
    %swap3A_129 = vector.shape_cast %add3A_124 : vector<1024x256xf32> to vector<1x1024x256xf32>
    tpu.vector_store %arg11[%swap3A, %swap3A_125, %swap3A_126], %swap3A_129 {strides = array<i32>} : memref<1x1024x256xf32, #tpu.memory_space<vmem>>, vector<1x1024x256xf32>,
    return
  }
  func.func @transform_0(%arg0: i32, %arg1: i32) -> (i32, i32, i32) {
    %c0_i32 = arith.constant 0 : i32
    %c0_i32_0 = arith.constant 0 : i32
    return %arg0, %arg1, %c0_i32 : i32, i32, i32
  }
  func.func @transform_1(%arg0: i32, %arg1: i32) -> (i32, i32, i32) {
    %c0_i32 = arith.constant 0 : i32
    %c0_i32_0 = arith.constant 0 : i32
    return %arg0, %arg1, %c0_i32 : i32, i32, i32
  }
  func.func @transform_2(%arg0: i32, %arg1: i32) -> (i32, i32, i32) {
    %c0_i32 = arith.constant 0 : i32
    %c0_i32_0 = arith.constant 0 : i32
    return %arg0, %arg1, %c0_i32 : i32, i32, i32
  }
  func.func @transform_3(%arg0: i32, %arg1: i32) -> (i32, i32, i32) {
    %c0_i32 = arith.constant 0 : i32
    %c0_i32_0 = arith.constant 0 : i32
    %c0_i32_1 = arith.constant 0 : i32
    return %arg0, %c0_i32, %c0_i32_0 : i32, i32, i32
  }
  func.func @transform_4(%arg0: i32, %arg1: i32) -> (i32, i32, i32) {
    %c0_i32 = arith.constant 0 : i32
    %c0_i32_0 = arith.constant 0 : i32
    %c0_i32_1 = arith.constant 0 : i32
    return %arg0, %c0_i32, %c0_i32_0 : i32, i32, i32
  }
  func.func @transform_5(%arg0: i32, %arg1: i32) -> (i32, i32, i32) {
    %c0_i32 = arith.constant 0 : i32
    %c0_i32_0 = arith.constant 0 : i32
    %c0_i32_1 = arith.constant 0 : i32
    return %arg0, %c0_i32, %c0_i32_0 : i32, i32, i32
  }
  func.func @transform_6(%arg0: i32, %arg1: i32) -> (i32, i32, i32) {
    %c0_i32 = arith.constant 0 : i32
    %c0_i32_0 = arith.constant 0 : i32
    %c0_i32_1 = arith.constant 0 : i32
    return %arg0, %c0_i32, %c0_i32_0 : i32, i32, i32
  }
  func.func @transform_7(%arg0: i32, %arg1: i32) -> (i32, i32) {
    %c0_i32 = arith.constant 0 : i32
    %c0_i32_0 = arith.constant 0 : i32
    %c0_i32_1 = arith.constant 0 : i32
    return %c0_i32, %c0_i32_0 : i32, i32
  }
  func.func @transform_8(%arg0: i32, %arg1: i32) -> (i32, i32) {
    %c0_i32 = arith.constant 0 : i32
    %c0_i32_0 = arith.constant 0 : i32
    %c0_i32_1 = arith.constant 0 : i32
    return %c0_i32, %c0_i32_0 : i32, i32
  }
  func.func @transform_9(%arg0: i32, %arg1: i32) -> (i32, i32, i32) {
    %c0_i32 = arith.constant 0 : i32
    %c0_i32_0 = arith.constant 0 : i32
    return %arg0, %arg1, %c0_i32 : i32, i32, i32
  }
}

</mosaic_0001>

<sc_bundles>
// kernel: kernel.5.cloned.1.call-start
scs
__scs_entry_jumppad:
0x0: {  	(pc) =	sbr.rel $0x88, $3  }
0x1: {  	(tag) =	ssettag $0x0;
	lr =	simm.s32 $0x1  }
0x2: {  	[smem:$0x3F7C] =	sst lr;
	_ =	strace $0xD0000000  }
0x3: {  	_ = 	snop  }
0x4: {  	_ = 	snop  }
0x5: {  	_ = 	snop  }
0x6: {  	_ = 	snop  }
0x7: {  	_ = 	snop  }
__scs_overlays_trampoline_lowered:
0x8: {  	[smem:$0x3F8B] =	sst s0  }
0x9: {  	[smem:$0x3F8C] =	sst s1  }
0xa: {  	[smem:$0x3F8D] =	sst s2  }
0xb: {  	[smem:$0x3F8E] =	sst s3  }
0xc: {  	[smem:$0x3F8F] =	sst s4  }
0xd: {  	[smem:$0x3F90] =	sst s5  }
0xe: {  	[smem:$0x3F91] =	sst s6  }
0xf: {  	[smem:$0x3F92] =	sst s7  }
0x10: {  	[smem:$0x3F93] =	sst s8  }
0x11: {  	[smem:$0x3F94] =	sst s9;
	s0 =	simm.s32 @!p0 $0x0  }
0x12: {  	s1 =	sld [smem:$0x3F7A];
	s0 =	simm.s32 @p0 $0x1  }
0x13: {  	[smem:$0x3F95] =	sst s0;
	s0 =	simm.s32 @!p1 $0x0  }
0x14: {  	s2 =	sld [smem:$0x3F79];
	s0 =	simm.s32 @p1 $0x1  }
0x15: {  	[smem:$0x3F96] =	sst s0;
	s0 =	simm.s32 @!p2 $0x0  }
0x16: {  	s3 =	sld [smem:$0x3FDB];
	s0 =	simm.s32 @p2 $0x1  }
0x17: {  	s4 =	simm.s32 $0x1BF5;
	[smem:$0x3F98] =	sst s0  }
0x18: {  	s0 =	sld [smem:$0x3F7B];
	_ =	swait.ge [sflag:s4], $0x0  }
0x19: {  	s7 =	sld [smem:$0x3F7C]  }
0x1a: {  	s8 =	sadd.s32 $0xFFFFE003, lr  }
0x1b: {  	s9 =	sadd.s32 $0xFFFFFEF7, lr;
	s5 =	simm.s32 $0xFFFFFFFF;
	p2 =	slt.u32 s8, $0xFFFFF086  }
0x1c: {  	p1 =	slt.u32 s9, $0xF7A;
	s5 =	simm.s32 @!p2 $0x0  }
0x1d: {  	s5 =	simm.s32 @p1 $0x1;
	p0 =	seq.s32 s7, s2  }
0x1e: {  	s7 =	smul.u32 @!p0 $0xF7A, s2;
	p2 =	seq.s32 @!p0 s5, $0x0  }
0x1f: {  	s9 =	smul.u32 $0xF7A, s1;
	s8 =	simm.s32 @!p0 $0x1BF5;
	p2 =	por !p2, p0  }
0x20: {  	[sflag:s8] =	ssyncset.s32 @!p0 $0xFFFFF086;
	s6 =	sadd.s32 @!p0 s3, s7;
	s7 =	simm.s32 @!p0 $0x108  }
0x21: {  	s3 =	sadd.s32 s3, s9;
	s6 =	sadd.s32 @!p0 $0x88, s6;
	s7 =	simm.s32 @p2 $0x1082  }
0x22: {  	[simem:s7], [sflag:s8] =	dma.local @!p0 [hbm:s6], $0xF7A  }
0x23: {  	s9 =	sor.u32 $0xD0000000, s2;
	s6 =	simm.s32 $0x108;
	_ =	swait.ge @!p0 [sflag:s8], $0x0  }
0x24: {  	s3 =	sadd.s32 $0x88, s3;
	s6 =	simm.s32 @!p1 $0x1082;
	[sflag:s4] =	ssyncset.s32 $0xFFFFF086  }
0x25: {  	[simem:s6], [sflag:s4] =	dma.local [hbm:s3], $0xF7A  }
0x26: {  	[smem:$0x3F7C] =	sst s1;
	(tag) =	ssettag s2;
	_ =	strace s9  }
0x27: {  	s1 =	sld [smem:$0x3F8C]  }
0x28: {  	s2 =	sld [smem:$0x3F8D]  }
0x29: {  	s4 =	sld [smem:$0x3F8F]  }
0x2a: {  	p0 =	seq.s32 s5, $0x0;
	s5 =	sld [smem:$0x3F90]  }
0x2b: {  	s6 =	sld [smem:$0x3F91]  }
0x2c: {  	s7 =	sld [smem:$0x3F92]  }
0x2d: {  	s3 =	simm.s32 $0x108;
	s8 =	sld [smem:$0x3F93]  }
0x2e: {  	s3 =	simm.s32 @!p0 $0x1082;
	s9 =	sld [smem:$0x3F94]  }
0x2f: {  	lr =	sadd.s32 s0, s3;
	s0 =	sld [smem:$0x3F8B]  }
0x30: {  	s3 =	sld [smem:$0x3F8E]  }
0x31: {  	[smem:$0x3F97] =	sst s10  }
0x32: {  	s10 =	sld [smem:$0x3F95];
	_ =	sdelay $0x3  }
0x33: {  	p0 =	seq.s32 s10, $0x1;
	s10 =	sld [smem:$0x3F97];
	_ =	sdelay $0x3  }
0x34: {  	[smem:$0x3F97] =	sst s10  }
0x35: {  	s10 =	sld [smem:$0x3F96];
	_ =	sdelay $0x3  }
0x36: {  	p1 =	seq.s32 s10, $0x1;
	s10 =	sld [smem:$0x3F97];
	_ =	sdelay $0x3  }
0x37: {  	[smem:$0x3F97] =	sst s10  }
0x38: {  	s10 =	sld [smem:$0x3F98]  }
0x39: {  	_ = 	snop;
	(pc) =	sbr.ind lr, $3  }
0x3a: {  	_ = 	snop  }
0x3b: {  	_ = 	snop  }
0x3c: {  	p2 =	seq.s32 s10, $0x1;
	s10 =	sld [smem:$0x3F97]  }
0x3d: {  	_ =	shalt  }
0x3e: {  	_ =	shalt  }
0x3f: {  	_ =	shalt  }
0x40: {  	_ =	shalt  }
0x41: {  	_ =	shalt  }
0x42: {  	_ =	shalt  }
0x43: {  	_ =	shalt  }
0x44: {  	_ =	shalt  }
0x45: {  	_ =	shalt  }
0x46: {  	_ =	shalt  }
0x47: {  	_ =	shalt  }
0x48: {  	_ =	shalt  }
0x49: {  	_ =	shalt  }
0x4a: {  	_ =	shalt  }
0x4b: {  	_ =	shalt  }
0x4c: {  	_ =	shalt  }
0x4d: {  	_ =	shalt  }
0x4e: {  	_ =	shalt  }
0x4f: {  	_ =	shalt  }
0x50: {  	_ =	shalt  }
0x51: {  	_ =	shalt  }
0x52: {  	_ =	shalt  }
0x53: {  	_ =	shalt  }
0x54: {  	_ =	shalt  }
0x55: {  	_ =	shalt  }
0x56: {  	_ =	shalt  }
0x57: {  	_ =	shalt  }
0x58: {  	_ =	shalt  }
0x59: {  	_ =	shalt  }
0x5a: {  	_ =	shalt  }
0x5b: {  	_ =	shalt  }
0x5c: {  	_ =	shalt  }
0x5d: {  	_ =	shalt  }
0x5e: {  	_ =	shalt  }
0x5f: {  	_ =	shalt  }
0x60: {  	_ =	shalt  }
0x61: {  	_ =	shalt  }
0x62: {  	_ =	shalt  }
0x63: {  	_ =	shalt  }
0x64: {  	_ =	shalt  }
0x65: {  	_ =	shalt  }
0x66: {  	_ =	shalt  }
0x67: {  	_ =	shalt  }
0x68: {  	_ =	shalt  }
0x69: {  	_ =	shalt  }
0x6a: {  	_ =	shalt  }
0x6b: {  	_ =	shalt  }
0x6c: {  	_ =	shalt  }
0x6d: {  	_ =	shalt  }
0x6e: {  	_ =	shalt  }
0x6f: {  	_ =	shalt  }
0x70: {  	_ =	shalt  }
0x71: {  	_ =	shalt  }
0x72: {  	_ =	shalt  }
0x73: {  	_ =	shalt  }
0x74: {  	_ =	shalt  }
0x75: {  	_ =	shalt  }
0x76: {  	_ =	shalt  }
0x77: {  	_ =	shalt  }
0x78: {  	_ =	shalt  }
0x79: {  	_ =	shalt  }
0x7a: {  	_ =	shalt  }
0x7b: {  	_ =	shalt  }
0x7c: {  	_ =	shalt  }
0x7d: {  	_ =	shalt  }
0x7e: {  	_ =	shalt  }
0x7f: {  	_ =	shalt  }
0x80: {  	_ =	shalt  }
0x81: {  	_ =	shalt  }
0x82: {  	_ =	shalt  }
0x83: {  	_ =	shalt  }
0x84: {  	_ =	shalt  }
0x85: {  	_ =	shalt  }
0x86: {  	_ =	shalt  }
0x87: {  	_ =	shalt  }
.Lfunc_end0:
.L_simem_size_0:
called_computation_lowered:
.L_overlay_start_0:
0x88: {  	s2 =	sld [smem:$0x3FD9]  }
0x89: {  	s3 =	sld [smem:$0x3FFE];
	_ =	sdelay $0x1  }
0x8a: {  	s1 =	srdreg.scid  }
0x8b: {  	s0 =	sand.u32 $0x1, s1  }
0x8c: {  	s16 =	sshll.u32 s0, $0xA;
	s2 =	sadd.s32 s3, s2  }
0x8d: {  	s2 =	sadd.s32 s2, s16  }
0x8e: {  	[smem:$0x3FA3] =	sst s2  }
0x8f: {  	_ = 	snop  }
0x90: {  	(tm) =	ssettm $0x1  }
0x91: {  	s17 =	sld [smem:$0x3FFB];
	_ =	sdelay $0x3  }
0x92: {  	_ =	strace s17  }
0x93: {  	s2 =	sld [smem:$0x3FFC];
	_ =	sdelay $0x3  }
0x94: {  	_ =	strace s2  }
0x95: {  	s2 =	sld [smem:$0x3FFD];
	_ =	sdelay $0x3  }
0x96: {  	_ =	strace s2  }
0x97: {  	_ =	strace $0x8FFFFFFF  }
0x98: {  	s18 =	sld [smem:$0x3FDB];
	_ =	sdelay $0x1  }
0x99: {  	s19 =	simm.s32 $_scs_section_size  }
0x9a: {  	s4 =	simm.s32 $_size__tile_overlayer_lowered;
	s5 =	simm.s32 $_tile_overlayer_lowered  }
0x9b: {  	s22 =	simm.s32 $0x1BFF;
	s21 =	sshll.u32 s5, $0x1;
	s2 =	sadd.s32 s19, s18  }
0x9c: {  	s6 =	simm.s32 $0x0;
	s20 =	sshll.u32 s4, $0x1;
	s4 =	sadd.s32 s21, s2  }
0x9d: {  	[timem:s6], [sflag:s22] =	dma.local [hbm:s4], s20  }
0x9e: {  	_ =	swait.ge [sflag:s22], s20  }
0x9f: {  	s3 =	ssub.s32 $0x0, s20;
	[sflag:s22] =	ssyncset.done $0x0  }
0xa0: {  	[sflag:s22] =	ssyncadd.s32 s3;
	_ =	sdelay $0x1  }
0xa1: {  	s23 =	simm.s32 $0x1B8B  }
0xa2: {  	_ =	swait.ge [sflag:s23], $0x1  }
0xa3: {  	[sflag:s23] =	ssyncset.done $0x0  }
0xa4: {  	s25 =	simm.s32 $0x1B8E;
	s24 =	sld [smem:$0x3FFE];
	[sflag:s23] =	ssyncadd.s32 $0xFFFFFFFF  }
0xa5: {  	s26 =	simm.s32 $execute0_lowered;
	[smem:$0x3FD2] =	sst s25  }
0xa6: {  	s4 =	sshll.u32 s26, $0x1;
	_ =	strace $0x80000046;
	[dreg:$0x1] =	wrdreg $0xFFFFFFFF  }
0xa7: {  	s28 =	simm.s32 $_size_execute0_lowered;
	s2 =	sadd.s32 s2, s4;
	[dreg:$0x0] =	wrdreg $0x0  }
0xa8: {  	s4 =	sshll.u32 s28, $0x1;
	[dreg:$0x2] =	wrdreg s2  }
0xa9: {  	[dreg:$0x3] =	wrdreg s4  }
0xaa: {  	[dreg:$0x4] =	wrdreg $0xC0  }
0xab: {  	_ =	task [dreg:s6], $0x5FFFF  }
0xac: {  	[dreg:$0x1] =	wrdreg $0xFFFFFFFF  }
0xad: {  	[dreg:$0x0] =	wrdreg $0x60  }
0xae: {  	[dreg:$0x2] =	wrdreg s24  }
0xaf: {  	[dreg:$0x3] =	wrdreg $0x19000  }
0xb0: {  	[dreg:$0x4] =	wrdreg $0x19800  }
0xb1: {  	[dreg:$0x5] =	wrdreg $0x9  }
0xb2: {  	_ =	task.clear_ibuf [dreg:s6], $0x6FFFF;
	_ =	strace $0x90000046  }
0xb3: {  	s29 =	simm.s32 $0x9;
	_ =	strace $0x80000048  }
0xb4: {  	_ =	swait.ge [sflag:s29], $0x1  }
0xb5: {  	[sflag:s29] =	ssyncadd.s32 $0xFFFFFFFF  }
0xb6: {  	_ =	strace $0x90000048  }
0xb7: {  	_ =	sfence  }
0xb8: {  	s30 =	sld [smem:$0x0];
	_ =	sdelay $0x2  }
0xb9: {  	s31 =	sshll.u32 s1, $0xD;
	s1 =	sshrl.u32 s1, $0x2  }
0xba: {  	s3 =	sand.u32 $0x4000, s31;
	s1 =	sadd.s32 s1, s30  }
0xbb: {  	s0 =	sor.u32 s3, s0;
	s1 =	sshll.u32 s1, $0x11  }
0xbc: {  	s0 =	sor.u32 s1, s0  }
0xbd: {  	s0 =	sadd.s32 $0x8F2B, s0  }
0xbe: {  	[sflag:s0] =	ssyncadd.remote.s32 $0x1  }
0xbf: {  	_ =	sfence.sel $0xFFFF  }
0xc0: {  	[dreg:$0x0] =	wrdreg $0xFFFFFFFF;
	(pc) =	sbr.abs _section_cstart, $3  }
0xc1: {  	[dreg:$0x1] =	wrdreg $0xFFFFFFFF  }
0xc2: {  	_ =	task.clear_ibuf [dreg:s6], $0x2FFFF;
	_ =	strace $0x9FFFFFFF  }
0xc3: {  	(tm) =	ssettm $0x7FFFFFFF  }
tec
execute0_lowered:
.L_overlay_start_1:
0x0: {  	(tag) =	ssettag $0x1  }
0x1: {  	s1 =	srdreg.scid  }
0x2: {  	s1 =	sand.u32 $0x1, s1  }
0x3: {  	p0 =	seq.s32 s1, $0x1  }
.Ltmp0:
0x4: {  	s5 =	rddreg [dreg:$0x0];
	(pc) =	sbr.rel @p0 .LBB2_23-.Ltmp0, $4  }
0x5: {  	s3 =	rddreg [dreg:$0x1]  }
0x6: {  	s4 =	rddreg [dreg:$0x2];
	s2 =	simm.s32 $0x0  }
0x7: {  	[smem:$0x7FF] =	sst s2  }
0x8: {  	s0 =	rddreg [dreg:$0x3];
	_ =	strace $0x80000047;
	s1 =	stileid.u32  }
0x9: {  	s6 =	sadd.s32 $0x3E00, s5;
	s7 =	sadd.s32 $0x1E00, s5  }
0xa: {  	s8 =	sshll.u32 s1, $0xA;
	s9 =	sshll.u32 s1, $0x4;
	s25 =	sshll.u32 s1, $0x8  }
0xb: {  	s26 =	sshll.u32 s1, $0xB;
	s28 =	sshll.u32 s1, $0x7;
	s14 =	simm.s32 $0x1  }
0xc: {  	s29 =	sshll.u32 s1, $0x9;
	s31 =	simm.s32 $0x800;
	s6 =	sadd.s32 s6, s25  }
0xd: {  	[tilespmem:s2], [sflag:$0x1] =	stream.linear.gather [hbm4b:s6+s2], $0x800, $0x38;
	[tilespmem:$0x5F80] =	vst v63  }
0xe: {  	p2 =	por $0x0, $0x0;
	p0 =	por $0x0, $0x0;
	_ =	swait.ge [sflag:s14], $0x800  }
0xf: {  	p1 =	por $0x0, $0x0;
	s12 =	sadd.s32 s8, s5;
	[sflag:s14] =	ssyncset.done $0x0  }
0x10: {  	s13 =	sadd.s32 s9, s5;
	s30 =	sadd.s32 s7, s25;
	[sflag:s14] =	ssyncadd.s32 $0xFFFFF800  }
0x11: {  	[tilespmem:s31], [sflag:$0x1] =	stream.linear.gather [hbm4b:s30+s2], $0x800, $0x38;
	[tilespmem:$0x5F80] =	vst v63  }
.Ltmp1:
0x12: {  	s11 =	sand.u32 $0x1800, s26;
	s10 =	sadd.s32 s28, s3;
	(pc) =	sbr.rel @p2 .LBB2_2-.Ltmp1, $4  }
0x13: {  	s9 =	sadd.s32 s28, s4;
	s8 =	sadd.s32 s29, s3;
	_ =	swait.ge [sflag:s14], $0x800  }
0x14: {  	s6 =	sadd.s32 s29, s4;
	s7 =	sadd.s32 $0x2E00, s12;
	[sflag:s14] =	ssyncset.done $0x0  }
0x15: {  	s5 =	sadd.s32 $0x4E00, s12;
	s12 =	simm.s32 $0x0;
	[sflag:s14] =	ssyncadd.s32 $0xFFFFF800  }
0x16: {  	s4 =	sadd.s32 $0x6000, s13;
	s3 =	sadd.s32 $0x5E00, s13;
	s2 =	sadd.s32 $0x6200, s13;
	v0 =	vld [tilespmem:s12+$0x30]  }
0x17: {  	v4 =	vld [tilespmem:s12+$0x830]  }
0x18: {  	v6 =	vld [tilespmem:s12+$0x0]  }
0x19: {  	v7 =	vld [tilespmem:s12+$0x800];
	p2 =	por $0x0, $0x0  }
.Ltmp2:
0x1a: {  	v1 =	vld [tilespmem:s12+$0x10];
	(pc) =	sbr.rel @p2 .LBB2_4-.Ltmp2, $4  }
0x1b: {  	v3 =	vld [tilespmem:s12+$0x810]  }
0x1c: {  	v2 =	vld [tilespmem:s12+$0x20];
	v5 =	vmul.f32 v4, v0  }
0x1d: {  	s14 =	simm.s32 $0x40;
	v4 =	vld [tilespmem:s12+$0x820]  }
0x1e: {  	p0 =	por $0x1, $0x1;
	v0 =	vld [tilespmem:s14+$0x30];
	v6 =	vmul.f32 v7, v6;
	v7 =	vshra.s32 v5, $0x1F  }
0x1f: {  	v8 =	vld [tilespmem:s14+$0x830];
	v7 =	vand.u32 $0x7FFFFFFF, v7  }
0x20: {  	v9 =	vld [tilespmem:s14+$0x0];
	v5 =	vxor.u32 v5, v7;
	v10 =	vshra.s32 v6, $0x1F;
	v11 =	vmul.f32 v3, v1  }
0x21: {  	p2 =	por $0x0, $0x0;
	v7 =	vld [tilespmem:s14+$0x800];
	[tilespmem:s12+$0x1030] =	vst v5;
	v3 =	vand.u32 $0x7FFFFFFF, v10  }
.Ltmp3:
0x22: {  	v1 =	vld [tilespmem:s14+$0x10];
	v5 =	vxor.u32 v6, v3;
	v6 =	vshra.s32 v11, $0x1F;
	v10 =	vmul.f32 v4, v2;
	(pc) =	sbr.rel @p2 .LBB2_6-.Ltmp3, $4  }
0x23: {  	v3 =	vld [tilespmem:s14+$0x810];
	[tilespmem:s12+$0x1000] =	vst v5;
	v4 =	vand.u32 $0x7FFFFFFF, v6  }
0x24: {  	v2 =	vld [tilespmem:s14+$0x20];
	v5 =	vmul.f32 v8, v0;
	v0 =	vxor.u32 v11, v4;
	v6 =	vshra.s32 v10, $0x1F  }
0x25: {  	s13 =	simm.s32 $0x80;
	v4 =	vld [tilespmem:s14+$0x820];
	[tilespmem:s12+$0x1010] =	vst v0;
	v8 =	vand.u32 $0x7FFFFFFF, v6  }
0x26: {  	s15 =	simm.s32 $0x300;
	p1 =	por $0x1, $0x1;
	v6 =	vmul.f32 v7, v9;
	v0 =	vld [tilespmem:s13+$0x30];
	v7 =	vshra.s32 v5, $0x1F;
	v8 =	vxor.u32 v10, v8  }
.LBB2_7:
0x27: {  	p2 =	seq.s32 s15, $0x1F00;
	v9 =	vld [tilespmem:s13+$0x830];
	v7 =	vand.u32 $0x7FFFFFFF, v7;
	[tilespmem:s12+$0x1020] =	vst v8;
	s12 =	smov.u32 s14;
	s14 =	smov.u32 s13  }
0x28: {  	v8 =	vld [tilespmem:s14+$0x0];
	v10 =	vshra.s32 v6, $0x1F;
	v11 =	vmul.f32 v3, v1;
	v1 =	vxor.u32 v5, v7  }
0x29: {  	v7 =	vld [tilespmem:s14+$0x800];
	v3 =	vand.u32 $0x7FFFFFFF, v10;
	[tilespmem:s12+$0x1030] =	vst v1  }
.Ltmp4:
0x2a: {  	v1 =	vld [tilespmem:s14+$0x10];
	v5 =	vxor.u32 v6, v3;
	v6 =	vshra.s32 v11, $0x1F;
	v10 =	vmul.f32 v4, v2;
	(pc) =	sbr.rel @!p2 .LBB2_7-.Ltmp4, $4  }
0x2b: {  	v3 =	vld [tilespmem:s14+$0x810];
	[tilespmem:s12+$0x1000] =	vst v5;
	v4 =	vand.u32 $0x7FFFFFFF, v6  }
0x2c: {  	v2 =	vld [tilespmem:s14+$0x20];
	v5 =	vmul.f32 v9, v0;
	v0 =	vxor.u32 v11, v4;
	v6 =	vshra.s32 v10, $0x1F  }
0x2d: {  	s13 =	sshra.s32 s15, $0x2;
	v4 =	vld [tilespmem:s14+$0x820];
	[tilespmem:s12+$0x1010] =	vst v0;
	v9 =	vand.u32 $0x7FFFFFFF, v6  }
0x2e: {  	s15 =	sadd.s32 $0x100, s15;
	v0 =	vld [tilespmem:s13+$0x30];
	v6 =	vmul.f32 v7, v8;
	v7 =	vshra.s32 v5, $0x1F;
	v8 =	vxor.u32 v10, v9  }
0x2f: {  	s15 =	smov.u32 s12;
	s12 =	smov.u32 s14  }
.LBB2_9:
0x30: {  	v9 =	vld [tilespmem:s13+$0x830];
	[tilespmem:s15+$0x1020] =	vst @p1 v8;
	v7 =	vand.u32 @p0 $0x7FFFFFFF, v7  }
0x31: {  	v10 =	vshra.s32 @p0 v6, $0x1F;
	v8 =	vld [tilespmem:s13+$0x0];
	v5 =	vxor.u32 @p0 v5, v7  }
0x32: {  	v57 =	vld [tilespmem:s13+$0x800];
	[tilespmem:s12+$0x1030] =	vst @p0 v5;
	v5 =	vand.u32 @p0 $0x7FFFFFFF, v10  }
0x33: {  	v58 =	vld [tilespmem:s13+$0x10];
	v5 =	vxor.u32 @p0 v6, v5  }
0x34: {  	v59 =	vld [tilespmem:s13+$0x810];
	[tilespmem:s12+$0x1000] =	vst @p0 v5  }
0x35: {  	v1 =	vmul.f32 @p0 v3, v1;
	v2 =	vmul.f32 @p0 v4, v2;
	v3 =	vld [tilespmem:s13+$0x20]  }
0x36: {  	v60 =	vld [tilespmem:s13+$0x820]  }
0x37: {  	v5 =	vshra.s32 @p0 v1, $0x1F;
	v11 =	vshra.s32 @p0 v2, $0x1F  }
0x38: {  	v0 =	vmul.f32 v9, v0;
	v5 =	vand.u32 @p0 $0x7FFFFFFF, v5;
	v9 =	vand.u32 @p0 $0x7FFFFFFF, v11  }
0x39: {  	v1 =	vxor.u32 @p0 v1, v5;
	v61 =	vmul.f32 v57, v8;
	v2 =	vxor.u32 @p0 v2, v9  }
0x3a: {  	v62 =	vshra.s32 v0, $0x1F;
	v2 =	vpsel p0, v2, v0;
	v6 =	vmul.f32 v59, v58  }
0x3b: {  	[tilespmem:s12+$0x1010] =	vst @p0 v1;
	s12 =	smov.u32 @p0 s12;
	v1 =	vand.u32 $0x7FFFFFFF, v62;
	v63 =	vshra.s32 v61, $0x1F;
	v3 =	vmul.f32 v60, v3  }
0x3c: {  	[tilespmem:s12+$0x1020] =	vst @p0 v2;
	v0 =	vxor.u32 v0, v1;
	v1 =	vand.u32 $0x7FFFFFFF, v63;
	v2 =	vshra.s32 v6, $0x1F  }
0x3d: {  	[tilespmem:s13+$0x1030] =	vst v0;
	v0 =	vxor.u32 v61, v1;
	v1 =	vand.u32 $0x7FFFFFFF, v2;
	v2 =	vshra.s32 v3, $0x1F  }
0x3e: {  	[tilespmem:s13+$0x1000] =	vst v0;
	v0 =	vxor.u32 v6, v1;
	v1 =	vand.u32 $0x7FFFFFFF, v2  }
0x3f: {  	[tilespmem:s13+$0x1010] =	vst v0;
	v0 =	vxor.u32 v3, v1  }
0x40: {  	s14 =	simm.s32 $0x7FFFFFFF;
	s12 =	simm.s32 $0x80000000;
	[tilespmem:s13+$0x1020] =	vst v0;
	s13 =	simm.s32 $0x0;
	v0 =	vimm.s32 $0x0  }
.LBB2_10:
0x41: {  	s17 =	simm.s32 $0x0  }
0x42: {  	v2 =	vld [tilespmem:s17+$0x1000]  }
0x43: {  	s15 =	sxor.u32 s12, s14;
	v5 =	vld [tilespmem:s17+$0x1010]  }
0x44: {  	s16 =	sand.u32 s12, s14;
	s15 =	sshra.s32 s15, $0x1;
	v3 =	vld [tilespmem:s17+$0x1020]  }
0x45: {  	v4 =	vld [tilespmem:s17+$0x1030];
	s15 =	sadd.s32 s15, s16  }
0x46: {  	v6 =	vimm.s32 $0x0;
	s16 =	simm.s32 $0x100;
	v1 =	vmov s15  }
.LBB2_11:
0x47: {  	s17 =	sshra.s32 s16, $0x2;
	p0 =	sne.s32 s16, $0x1F00;
	s16 =	sadd.s32 $0x100, s16;
	vm0 =	vge.s32 v2, v1  }
.Ltmp5:
0x48: {  	v2 =	vld [tilespmem:s17+$0x1000];
	v7 =	vsel vm0, $0x1, v0;
	vm0 =	vge.s32 v5, v1;
	(pc) =	sbr.rel @p0 .LBB2_11-.Ltmp5, $4  }
0x49: {  	v5 =	vld [tilespmem:s17+$0x1010];
	v6 =	vadd.s32 v7, v6;
	v7 =	vsel vm0, $0x1, v0;
	vm0 =	vge.s32 v3, v1  }
0x4a: {  	v3 =	vld [tilespmem:s17+$0x1020];
	v6 =	vadd.s32 v7, v6;
	v7 =	vsel vm0, $0x1, v0;
	vm0 =	vge.s32 v4, v1  }
0x4b: {  	v4 =	vld [tilespmem:s17+$0x1030];
	v6 =	vadd.s32 v7, v6;
	v7 =	vsel vm0, $0x1, v0  }
0x4c: {  	v6 =	vadd.s32 v7, v6  }
0x4d: {  	vm0 =	vge.s32 v2, v1  }
0x4e: {  	v2 =	vsel vm0, $0x1, v0;
	vm13 =	vge.s32 v5, v1  }
0x4f: {  	v2 =	vadd.s32 v2, v6;
	v5 =	vsel vm13, $0x1, v0;
	vm14 =	vge.s32 v3, v1  }
0x50: {  	v2 =	vadd.s32 v5, v2;
	v3 =	vsel vm14, $0x1, v0;
	vm15 =	vge.s32 v4, v1  }
0x51: {  	v1 =	vadd.s32 v3, v2;
	v2 =	vsel vm15, $0x1, v0  }
0x52: {  	v1 =	vadd.s32 v2, v1  }
0x53: {  	(xrf0) =	vadd.scan.msk.s32 $0xffff, v1;
	_ =	sdelay $0x5  }
0x54: {  	v1, _, _ =	vpop (xrf0)  }
0x55: {  	(v2sf) =	vpush v1, $0xF;
	_ =	sdelay $0xe  }
0x56: {  	s16 =	spop (v2sf)  }
0x57: {  	s13 =	sadd.s32 $0x1, s13;
	p0 =	sgt.s32 s16, $0x7F  }
0x58: {  	s12 =	smov.u32 @p0 s15;
	s15 =	smov.u32 @p0 s14;
	p0 =	seq.s32 s13, $0x20  }
.Ltmp6:
0x59: {  	_ = 	snop;
	(pc) =	sbr.rel @!p0 .LBB2_10-.Ltmp6, $2  }
0x5a: {  	_ =	sdelay $0x2  }
0x5b: {  	s14 =	smov.u32 s15  }
0x5c: {  	s13 =	simm.s32 $0x0  }
0x5d: {  	v5 =	vld [tilespmem:s13+$0x1000]  }
0x5e: {  	v4 =	vld [tilespmem:s13+$0x1010]  }
0x5f: {  	v3 =	vld [tilespmem:s13+$0x1020]  }
0x60: {  	v2 =	vld [tilespmem:s13+$0x1030]  }
0x61: {  	v0 =	vmov s12;
	v1 =	vimm.s32 $0x0;
	s12 =	simm.s32 $0x100;
	v6 =	vimm.s32 $0x0  }
.LBB2_14:
0x62: {  	s13 =	sshra.s32 s12, $0x2;
	p0 =	sne.s32 s12, $0x1F00;
	s12 =	sadd.s32 $0x100, s12;
	vm0 =	vgt.s32 v5, v0  }
.Ltmp7:
0x63: {  	v5 =	vld [tilespmem:s13+$0x1000];
	v7 =	vsel vm0, $0x1, v1;
	vm0 =	vgt.s32 v4, v0;
	(pc) =	sbr.rel @p0 .LBB2_14-.Ltmp7, $4  }
0x64: {  	v4 =	vld [tilespmem:s13+$0x1010];
	v6 =	vadd.s32 v7, v6;
	v7 =	vsel vm0, $0x1, v1;
	vm0 =	vgt.s32 v3, v0  }
0x65: {  	v3 =	vld [tilespmem:s13+$0x1020];
	v6 =	vadd.s32 v7, v6;
	v7 =	vsel vm0, $0x1, v1;
	vm0 =	vgt.s32 v2, v0  }
0x66: {  	v2 =	vld [tilespmem:s13+$0x1030];
	v6 =	vadd.s32 v7, v6;
	v7 =	vsel vm0, $0x1, v1  }
0x67: {  	v6 =	vadd.s32 v7, v6  }
0x68: {  	vm0 =	vgt.s32 v5, v0  }
0x69: {  	v5 =	vsel vm0, $0x1, v1;
	vm0 =	vgt.s32 v4, v0  }
0x6a: {  	v4 =	vadd.s32 v5, v6;
	v5 =	vsel vm0, $0x1, v1;
	vm0 =	vgt.s32 v3, v0  }
0x6b: {  	v3 =	vadd.s32 v5, v4;
	v4 =	vsel vm0, $0x1, v1;
	vm0 =	vgt.s32 v2, v0  }
0x6c: {  	v2 =	vadd.s32 v4, v3;
	v1 =	vsel vm0, $0x1, v1  }
0x6d: {  	v1 =	vadd.s32 v1, v2  }
0x6e: {  	(xrf0) =	vadd.scan.msk.s32 $0xffff, v1;
	_ =	sdelay $0x5  }
0x6f: {  	v1, _, _ =	vpop (xrf0)  }
0x70: {  	(v2sf) =	vpush v1, $0xF;
	_ =	sdelay $0x1  }
0x71: {  	s12 =	simm.s32 $0x0  }
0x72: {  	v4 =	vld [tilespmem:s12+$0x1000];
	_ =	sdelay $0x4  }
0x73: {  	vm0 =	veq.s32 v4, v0;
	v1 =	vimm.s32 $0x0  }
0x74: {  	v2 =	vsel vm0, $0x1, v1  }
0x75: {  	(xrf0) =	vadd.scan.msk.s32 $0xffff, v2;
	_ =	sdelay $0x4  }
0x76: {  	s12 =	simm.s32 $0x0;
	v2 =	vsel vm0, $0xFFFFFFFF, v1;
	s13 =	spop (v2sf)  }
0x77: {  	v3 =	vadd.s32 s12, v2;
	v5, _, _ =	vpop (xrf0);
	s13 =	ssub.s32 $0x80, s13  }
0x78: {  	v3 =	vadd.s32 v5, v3;
	v2 =	vmov s13  }
0x79: {  	vm1 =	vlt.s32 v3, v2  }
0x7a: {  	vm2 =	vgt.s32 v4, v0;
	vm0 =	vmand vm0, vm1  }
0x7b: {  	vm0 =	vmor vm2, vm0  }
0x7c: {  	v3 =	vsel vm0, $0x1, v1  }
0x7d: {  	(xrf0) =	vadd.scan.msk.s32 $0xffff, v3;
	_ =	sdelay $0x5  }
0x7e: {  	(v2sf) =	vpush v5, $0xF;
	v3 =	vsel vm0, $0xFFFFFFFF, v1;
	v5, _, _ =	vpop (xrf0)  }
0x7f: {  	v3 =	vadd.s32 s12, v3;
	(v2sf) =	vpush v5, $0xF  }
0x80: {  	v5 =	vadd.s32 v5, v3;
	_ =	sdelay $0x3  }
0x81: {  	s14 =	simm.s32 $0x1800;
	v3 =	vlaneseq.u32  }
0x82: {  	s13 =	simm.s32 $0x1880;
	v6 =	vor.u32 s11, v3;
	[tilespmem:v5+s14+$0x0] =	vst.idx.msk vm0, v4  }
0x83: {  	s15 =	simm.s32 $0x10;
	[tilespmem:v5+s13+$0x0] =	vst.idx.msk vm0, v6  }
0x84: {  	v4 =	vld [tilespmem:s15+$0x1000];
	_ =	sdelay $0x4  }
0x85: {  	vm0 =	veq.s32 v4, v0  }
0x86: {  	s31 =	spop (v2sf);
	v6 =	vsel vm0, $0x1, v1  }
0x87: {  	s17 =	simm.s32 $0x80;
	s15 =	sadd.s32 $0x0, s31;
	v5 =	vsel vm0, $0xFFFFFFFF, v1;
	(xrf0) =	vadd.scan.msk.s32 $0xffff, v6;
	s16 =	spop (v2sf)  }
.LBB2_16:
0x88: {  	s12 =	sadd.s32 s12, s16  }
0x89: {  	s11 =	sadd.s32 $0x10, s11;
	s16 =	smov.u32 s17;
	s18 =	sadd.s32 $0x40, s17  }
0x8a: {  	p0 =	sne.s32 s17, $0x1FC0;
	_ =	sdelay $0x2  }
0x8b: {  	v5 =	vadd.s32 s15, v5;
	v6, _, _ =	vpop (xrf0)  }
0x8c: {  	v5 =	vadd.s32 v6, v5;
	(v2sf) =	vpush v6, $0xF  }
0x8d: {  	vm1 =	vlt.s32 v5, v2  }
0x8e: {  	vm2 =	vgt.s32 v4, v0;
	vm0 =	vmand vm0, vm1  }
0x8f: {  	vm0 =	vmor vm2, vm0  }
0x90: {  	v5 =	vsel vm0, $0xFFFFFFFF, v1;
	v6 =	vsel vm0, $0x1, v1  }
0x91: {  	(xrf0) =	vadd.scan.msk.s32 $0xffff, v6;
	_ =	sdelay $0x5  }
0x92: {  	v5 =	vadd.s32 s12, v5;
	v6, _, _ =	vpop (xrf0)  }
0x93: {  	v5 =	vadd.s32 v6, v5;
	(v2sf) =	vpush v6, $0xF;
	_ =	sdelay $0x2  }
0x94: {  	s17 =	spop (v2sf)  }
0x95: {  	s15 =	sadd.s32 s15, s17  }
0x96: {  	v6 =	vor.u32 s11, v3;
	[tilespmem:v5+s14+$0x0] =	vst.idx.msk vm0, v4  }
0x97: {  	s16 =	sshra.s32 s16, $0x2;
	[tilespmem:v5+s13+$0x0] =	vst.idx.msk vm0, v6  }
0x98: {  	v4 =	vld [tilespmem:s16+$0x1000];
	_ =	sdelay $0x3  }
.Ltmp8:
0x99: {  	(pc) =	sbr.rel @p0 .LBB2_16-.Ltmp8, $4  }
0x9a: {  	vm0 =	veq.s32 v4, v0  }
0x9b: {  	v5 =	vsel vm0, $0xFFFFFFFF, v1;
	v6 =	vsel vm0, $0x1, v1  }
0x9c: {  	(xrf0) =	vadd.scan.msk.s32 $0xffff, v6  }
0x9d: {  	s17 =	smov.u32 s18;
	s16 =	spop (v2sf)  }
0x9e: {  	_ =	sdelay $0x3  }
0x9f: {  	v5 =	vadd.s32 s15, v5;
	v6, _, _ =	vpop (xrf0)  }
0xa0: {  	v5 =	vadd.s32 v6, v5  }
0xa1: {  	vm1 =	vlt.s32 v5, v2  }
0xa2: {  	vm2 =	vgt.s32 v4, v0;
	vm0 =	vmand vm0, vm1  }
0xa3: {  	vm0 =	vmor vm2, vm0  }
0xa4: {  	v61 =	vsel vm0, $0x1, v1  }
0xa5: {  	(xrf0) =	vadd.scan.msk.s32 $0xffff, v61;
	_ =	sdelay $0x4  }
0xa6: {  	(v2sf) =	vpush v6, $0xF  }
0xa7: {  	v0, _, _ =	vpop (xrf0)  }
0xa8: {  	(v2sf) =	vpush v0, $0xF;
	_ =	sdelay $0x4  }
0xa9: {  	s12 =	sadd.s32 s12, s16;
	v62 =	vsel vm0, $0xFFFFFFFF, v1  }
0xaa: {  	v1 =	vadd.s32 s12, v62  }
0xab: {  	v0 =	vadd.s32 v0, v1;
	_ =	sdelay $0x3  }
0xac: {  	s11 =	sadd.s32 $0x10, s11  }
0xad: {  	v63 =	vor.u32 s11, v3;
	[tilespmem:v0+s14+$0x0] =	vst.idx.msk vm0, v4  }
0xae: {  	s11 =	simm.s32 $0x1800;
	s29 =	spop (v2sf);
	[tilespmem:v0+s13+$0x0] =	vst.idx.msk vm0, v63  }
0xaf: {  	[spmem:s10] =	stream.linear.scatter [tilespmem:s11], [sflag:$0x1], $0x80, $0x38;
	[tilespmem:$0x5F80] =	vst v63  }
0xb0: {  	s10 =	simm.s32 $0x1;
	s30 =	spop (v2sf)  }
0xb1: {  	_ =	swait.ge [sflag:s10], $0x80  }
0xb2: {  	[sflag:s10] =	ssyncset.done $0x0  }
0xb3: {  	s31 =	simm.s32 $0x1880;
	p0 =	sgt.u32 s1, $0x3;
	[sflag:s10] =	ssyncadd.s32 $0xFFFFFF80  }
0xb4: {  	[spmem:s9] =	stream.linear.scatter [tilespmem:s31], [sflag:$0x1], $0x80, $0x38;
	[tilespmem:$0x5F80] =	vst v63  }
.Ltmp9:
0xb5: {  	_ =	swait.ge [sflag:s10], $0x80;
	(pc) =	sbr.rel @p0 .LBB2_23-.Ltmp9, $3  }
0xb6: {  	[sflag:s10] =	ssyncset.done $0x0  }
0xb7: {  	[sflag:s10] =	ssyncadd.s32 $0xFFFFFF80  }
0xb8: {  	[bflag:$0x0] =	sbarrier.arrive $0xFFFF;
	_ =	sdelay $0x1  }
0xb9: {  	s9 =	simm.s32 $0x1A00  }
0xba: {  	[tilespmem:s9], [sflag:$0x1] =	stream.linear.gather [spmem:s8], $0x200, $0x38;
	[tilespmem:$0x5F80] =	vst v63  }
0xbb: {  	_ =	swait.ge [sflag:s10], $0x200  }
0xbc: {  	[sflag:s10] =	ssyncset.done $0x0  }
0xbd: {  	s28 =	simm.s32 $0x1C00;
	[sflag:s10] =	ssyncadd.s32 $0xFFFFFE00  }
0xbe: {  	[tilespmem:s28], [sflag:$0x1] =	stream.linear.gather [spmem:s6], $0x200, $0x38;
	[tilespmem:$0x5F80] =	vst v63  }
0xbf: {  	_ =	swait.ge [sflag:s10], $0x200  }
0xc0: {  	[sflag:s10] =	ssyncset.done $0x0  }
0xc1: {  	s29 =	simm.s32 $0x0;
	s30 =	simm.s32 $0x1E00;
	[sflag:s10] =	ssyncadd.s32 $0xFFFFFE00  }
0xc2: {  	[tilespmem:s30], [sflag:$0x1] =	stream.linear.gather [hbm4b:s7+s29], $0x2000, $0x38;
	[tilespmem:$0x5F80] =	vst v63  }
0xc3: {  	_ =	swait.ge [sflag:s10], $0x2000  }
0xc4: {  	[sflag:s10] =	ssyncset.done $0x0  }
0xc5: {  	s31 =	simm.s32 $0x3E00;
	[sflag:s10] =	ssyncadd.s32 $0xFFFFE000  }
0xc6: {  	[tilespmem:s31], [sflag:$0x1] =	stream.linear.gather [hbm4b:s5+s29], $0x2000, $0x38;
	[tilespmem:$0x5F80] =	vst v63  }
0xc7: {  	_ =	swait.ge [sflag:s10], $0x2000  }
0xc8: {  	[sflag:s10] =	ssyncset.done $0x0  }
0xc9: {  	[sflag:s10] =	ssyncadd.s32 $0xFFFFE000  }
0xca: {  	v31 =	vld [tilespmem:$0x1A00]  }
0xcb: {  	v32 =	vld [tilespmem:$0x1A10]  }
0xcc: {  	v30 =	vld [tilespmem:$0x1A20]  }
0xcd: {  	v29 =	vld [tilespmem:$0x1A30]  }
0xce: {  	v28 =	vld [tilespmem:$0x1A40]  }
0xcf: {  	v27 =	vld [tilespmem:$0x1A50]  }
0xd0: {  	v26 =	vld [tilespmem:$0x1A60]  }
0xd1: {  	v25 =	vld [tilespmem:$0x1A70]  }
0xd2: {  	v24 =	vld [tilespmem:$0x1A80]  }
0xd3: {  	v23 =	vld [tilespmem:$0x1A90]  }
0xd4: {  	v22 =	vld [tilespmem:$0x1AA0]  }
0xd5: {  	v21 =	vld [tilespmem:$0x1AB0]  }
0xd6: {  	v20 =	vld [tilespmem:$0x1AC0]  }
0xd7: {  	v19 =	vld [tilespmem:$0x1AD0]  }
0xd8: {  	v14 =	vld [tilespmem:$0x1AE0]  }
0xd9: {  	v13 =	vld [tilespmem:$0x1AF0]  }
0xda: {  	v12 =	vld [tilespmem:$0x1B00]  }
0xdb: {  	v11 =	vld [tilespmem:$0x1B10]  }
0xdc: {  	v10 =	vld [tilespmem:$0x1B20]  }
0xdd: {  	v9 =	vld [tilespmem:$0x1B30]  }
0xde: {  	v8 =	vld [tilespmem:$0x1B40]  }
0xdf: {  	v7 =	vld [tilespmem:$0x1B50]  }
0xe0: {  	v6 =	vld [tilespmem:$0x1B60]  }
0xe1: {  	v5 =	vld [tilespmem:$0x1B70]  }
0xe2: {  	v4 =	vld [tilespmem:$0x1B80]  }
0xe3: {  	v3 =	vld [tilespmem:$0x1B90]  }
0xe4: {  	v2 =	vld [tilespmem:$0x1BA0]  }
0xe5: {  	v1 =	vld [tilespmem:$0x1BB0]  }
0xe6: {  	v0 =	vld [tilespmem:$0x1BC0]  }
0xe7: {  	v18 =	vld [tilespmem:$0x1BD0]  }
0xe8: {  	s6 =	simm.s32 $0x7FFFFFFF;
	s5 =	simm.s32 $0x80000000;
	v16 =	vld [tilespmem:$0x1BE0]  }
0xe9: {  	v15 =	vimm.s32 $0x0;
	s7 =	simm.s32 $0x1F;
	s9 =	sand.u32 s5, s6;
	s10 =	sxor.u32 s5, s6;
	v17 =	vld [tilespmem:$0x1BF0]  }
.LBB2_19:
0xea: {  	s8 =	smov.u32 s6  }
0xeb: {  	p0 =	seq.s32 s7, $0x1;
	s6 =	sshra.s32 s10, $0x1  }
0xec: {  	s6 =	sadd.s32 s6, s9  }
0xed: {  	vm0 =	vge.s32 v31, s6;
	vm1 =	vge.s32 v32, s6  }
0xee: {  	v33 =	vsel vm0, $0x1, v15;
	v34 =	vsel vm1, $0x1, v15;
	vm0 =	vge.s32 v30, s6  }
0xef: {  	v33 =	vadd.s32 v34, v33;
	v34 =	vsel vm0, $0x1, v15;
	vm0 =	vge.s32 v29, s6  }
0xf0: {  	v33 =	vadd.s32 v34, v33;
	v34 =	vsel vm0, $0x1, v15;
	vm0 =	vge.s32 v28, s6  }
0xf1: {  	v33 =	vadd.s32 v34, v33;
	v34 =	vsel vm0, $0x1, v15;
	vm0 =	vge.s32 v27, s6  }
0xf2: {  	v33 =	vadd.s32 v34, v33;
	v34 =	vsel vm0, $0x1, v15;
	vm0 =	vge.s32 v26, s6  }
0xf3: {  	v33 =	vadd.s32 v34, v33;
	v34 =	vsel vm0, $0x1, v15;
	vm0 =	vge.s32 v25, s6  }
0xf4: {  	v33 =	vadd.s32 v34, v33;
	v34 =	vsel vm0, $0x1, v15;
	vm0 =	vge.s32 v24, s6  }
0xf5: {  	v33 =	vadd.s32 v34, v33;
	v34 =	vsel vm0, $0x1, v15;
	vm0 =	vge.s32 v23, s6  }
0xf6: {  	v33 =	vadd.s32 v34, v33;
	v34 =	vsel vm0, $0x1, v15;
	vm0 =	vge.s32 v22, s6  }
0xf7: {  	v33 =	vadd.s32 v34, v33;
	v34 =	vsel vm0, $0x1, v15;
	vm0 =	vge.s32 v21, s6  }
0xf8: {  	v33 =	vadd.s32 v34, v33;
	v34 =	vsel vm0, $0x1, v15;
	vm0 =	vge.s32 v20, s6  }
0xf9: {  	v33 =	vadd.s32 v34, v33;
	v34 =	vsel vm0, $0x1, v15;
	vm0 =	vge.s32 v19, s6  }
0xfa: {  	v33 =	vadd.s32 v34, v33;
	v34 =	vsel vm0, $0x1, v15;
	vm0 =	vge.s32 v14, s6  }
0xfb: {  	v33 =	vadd.s32 v34, v33;
	v34 =	vsel vm0, $0x1, v15;
	vm0 =	vge.s32 v13, s6  }
0xfc: {  	v33 =	vadd.s32 v34, v33;
	v34 =	vsel vm0, $0x1, v15;
	vm0 =	vge.s32 v12, s6  }
0xfd: {  	v33 =	vadd.s32 v34, v33;
	v34 =	vsel vm0, $0x1, v15;
	vm0 =	vge.s32 v11, s6  }
0xfe: {  	v33 =	vadd.s32 v34, v33;
	v34 =	vsel vm0, $0x1, v15;
	vm0 =	vge.s32 v10, s6  }
0xff: {  	v33 =	vadd.s32 v34, v33;
	v34 =	vsel vm0, $0x1, v15;
	vm0 =	vge.s32 v9, s6  }
0x100: {  	v33 =	vadd.s32 v34, v33;
	v34 =	vsel vm0, $0x1, v15;
	vm0 =	vge.s32 v8, s6  }
0x101: {  	v33 =	vadd.s32 v34, v33;
	v34 =	vsel vm0, $0x1, v15;
	vm0 =	vge.s32 v7, s6  }
0x102: {  	v33 =	vadd.s32 v34, v33;
	v34 =	vsel vm0, $0x1, v15;
	vm0 =	vge.s32 v6, s6  }
0x103: {  	v33 =	vadd.s32 v34, v33;
	v34 =	vsel vm0, $0x1, v15;
	vm0 =	vge.s32 v5, s6  }
0x104: {  	v33 =	vadd.s32 v34, v33;
	v34 =	vsel vm0, $0x1, v15;
	vm0 =	vge.s32 v4, s6  }
0x105: {  	v33 =	vadd.s32 v34, v33;
	v34 =	vsel vm0, $0x1, v15;
	vm0 =	vge.s32 v3, s6  }
0x106: {  	v33 =	vadd.s32 v34, v33;
	v34 =	vsel vm0, $0x1, v15;
	vm0 =	vge.s32 v2, s6  }
0x107: {  	v33 =	vadd.s32 v34, v33;
	v34 =	vsel vm0, $0x1, v15;
	vm0 =	vge.s32 v1, s6  }
0x108: {  	v33 =	vadd.s32 v34, v33;
	v34 =	vsel vm0, $0x1, v15;
	vm0 =	vge.s32 v0, s6  }
0x109: {  	v33 =	vadd.s32 v34, v33;
	v34 =	vsel vm0, $0x1, v15;
	vm0 =	vge.s32 v18, s6  }
0x10a: {  	v33 =	vadd.s32 v34, v33;
	v34 =	vsel vm0, $0x1, v15;
	vm0 =	vge.s32 v16, s6  }
0x10b: {  	v33 =	vadd.s32 v34, v33;
	v34 =	vsel vm0, $0x1, v15;
	vm0 =	vge.s32 v17, s6  }
0x10c: {  	v33 =	vadd.s32 v34, v33;
	v34 =	vsel vm0, $0x1, v15  }
0x10d: {  	v33 =	vadd.s32 v34, v33  }
0x10e: {  	(xrf0) =	vadd.scan.msk.s32 $0xffff, v33;
	_ =	sdelay $0x5  }
0x10f: {  	v33, _, _ =	vpop (xrf0)  }
0x110: {  	(v2sf) =	vpush v33, $0xF;
	_ =	sdelay $0xd  }
.Ltmp10:
0x111: {  	(pc) =	sbr.rel @!p0 .LBB2_19-.Ltmp10, $4  }
0x112: {  	s9 =	spop (v2sf)  }
0x113: {  	p1 =	sgt.s32 s9, $0x7F  }
0x114: {  	s5 =	smov.u32 @p1 s6;
	s6 =	smov.u32 @p1 s8  }
0x115: {  	s7 =	sadd.s32 $0xFFFFFFFF, s7;
	s9 =	sand.u32 s5, s6;
	s10 =	sxor.u32 s5, s6  }
0x116: {  	s6 =	sshra.s32 s10, $0x1  }
0x117: {  	s6 =	sadd.s32 s6, s9  }
0x118: {  	vm0 =	vge.s32 v31, s6;
	vm1 =	vge.s32 v32, s6  }
0x119: {  	v31 =	vsel vm0, $0x1, v15;
	v32 =	vsel vm1, $0x1, v15;
	vm0 =	vge.s32 v30, s6  }
0x11a: {  	v60 =	vadd.s32 v32, v31;
	v61 =	vsel vm0, $0x1, v15;
	vm0 =	vge.s32 v29, s6  }
0x11b: {  	v62 =	vadd.s32 v61, v60;
	v63 =	vsel vm0, $0x1, v15;
	vm0 =	vge.s32 v28, s6  }
0x11c: {  	v32 =	vadd.s32 v63, v62;
	v33 =	vsel vm0, $0x1, v15;
	vm0 =	vge.s32 v27, s6  }
0x11d: {  	v34 =	vadd.s32 v33, v32;
	v35 =	vsel vm0, $0x1, v15;
	vm0 =	vge.s32 v26, s6  }
0x11e: {  	v36 =	vadd.s32 v35, v34;
	v37 =	vsel vm0, $0x1, v15;
	vm0 =	vge.s32 v25, s6  }
0x11f: {  	v38 =	vadd.s32 v37, v36;
	v39 =	vsel vm0, $0x1, v15;
	vm0 =	vge.s32 v24, s6  }
0x120: {  	v40 =	vadd.s32 v39, v38;
	v41 =	vsel vm0, $0x1, v15;
	vm0 =	vge.s32 v23, s6  }
0x121: {  	v42 =	vadd.s32 v41, v40;
	v43 =	vsel vm0, $0x1, v15;
	vm0 =	vge.s32 v22, s6  }
0x122: {  	v44 =	vadd.s32 v43, v42;
	v45 =	vsel vm0, $0x1, v15;
	vm0 =	vge.s32 v21, s6  }
0x123: {  	v46 =	vadd.s32 v45, v44;
	v47 =	vsel vm0, $0x1, v15;
	vm0 =	vge.s32 v20, s6  }
0x124: {  	v48 =	vadd.s32 v47, v46;
	v49 =	vsel vm0, $0x1, v15;
	vm0 =	vge.s32 v19, s6  }
0x125: {  	v50 =	vadd.s32 v49, v48;
	v51 =	vsel vm0, $0x1, v15;
	vm0 =	vge.s32 v14, s6  }
0x126: {  	v19 =	vadd.s32 v51, v50;
	v52 =	vsel vm0, $0x1, v15;
	vm0 =	vge.s32 v13, s6  }
0x127: {  	v19 =	vadd.s32 v52, v19;
	v53 =	vsel vm0, $0x1, v15;
	vm0 =	vge.s32 v12, s6  }
0x128: {  	v19 =	vadd.s32 v53, v19;
	v54 =	vsel vm0, $0x1, v15;
	vm0 =	vge.s32 v11, s6  }
0x129: {  	v19 =	vadd.s32 v54, v19;
	v55 =	vsel vm0, $0x1, v15;
	vm0 =	vge.s32 v10, s6  }
0x12a: {  	v19 =	vadd.s32 v55, v19;
	v56 =	vsel vm0, $0x1, v15;
	vm0 =	vge.s32 v9, s6  }
0x12b: {  	v19 =	vadd.s32 v56, v19;
	v57 =	vsel vm0, $0x1, v15;
	vm0 =	vge.s32 v8, s6  }
0x12c: {  	v19 =	vadd.s32 v57, v19;
	v58 =	vsel vm0, $0x1, v15;
	vm0 =	vge.s32 v7, s6  }
0x12d: {  	v19 =	vadd.s32 v58, v19;
	v59 =	vsel vm0, $0x1, v15;
	vm0 =	vge.s32 v6, s6  }
0x12e: {  	v19 =	vadd.s32 v59, v19;
	v60 =	vsel vm0, $0x1, v15;
	vm0 =	vge.s32 v5, s6  }
0x12f: {  	v19 =	vadd.s32 v60, v19;
	v61 =	vsel vm0, $0x1, v15;
	vm0 =	vge.s32 v4, s6  }
0x130: {  	v19 =	vadd.s32 v61, v19;
	v62 =	vsel vm0, $0x1, v15;
	vm0 =	vge.s32 v3, s6  }
0x131: {  	v19 =	vadd.s32 v62, v19;
	v63 =	vsel vm0, $0x1, v15;
	vm0 =	vge.s32 v2, s6  }
0x132: {  	v19 =	vadd.s32 v63, v19;
	v24 =	vsel vm0, $0x1, v15;
	vm0 =	vge.s32 v1, s6  }
0x133: {  	v19 =	vadd.s32 v24, v19;
	v25 =	vsel vm0, $0x1, v15;
	vm0 =	vge.s32 v0, s6  }
0x134: {  	v19 =	vadd.s32 v25, v19;
	v26 =	vsel vm0, $0x1, v15;
	vm0 =	vge.s32 v18, s6  }
0x135: {  	v27 =	vadd.s32 v26, v19;
	v28 =	vsel vm0, $0x1, v15;
	vm0 =	vge.s32 v16, s6  }
0x136: {  	v16 =	vadd.s32 v28, v27;
	v29 =	vsel vm0, $0x1, v15;
	vm0 =	vge.s32 v17, s6  }
0x137: {  	v16 =	vadd.s32 v29, v16;
	v15 =	vsel vm0, $0x1, v15  }
0x138: {  	v15 =	vadd.s32 v15, v16  }
0x139: {  	(xrf0) =	vadd.scan.msk.s32 $0xffff, v15;
	_ =	sdelay $0x5  }
0x13a: {  	v15, _, _ =	vpop (xrf0)  }
0x13b: {  	(v2sf) =	vpush v15, $0xF;
	_ =	sdelay $0xb  }
0x13c: {  	v16 =	vld [tilespmem:$0x1A10]  }
0x13d: {  	v15 =	vld [tilespmem:$0x1A00]  }
0x13e: {  	v17 =	vld [tilespmem:$0x1A20]  }
0x13f: {  	v30 =	vld [tilespmem:$0x1A30];
	s7 =	spop (v2sf)  }
0x140: {  	v31 =	vld [tilespmem:$0x1A40];
	p0 =	sgt.s32 s7, $0x7F  }
0x141: {  	v32 =	vld [tilespmem:$0x1A50];
	s5 =	smov.u32 @p0 s6  }
0x142: {  	vm0 =	vgt.s32 v15, s5;
	v15 =	vimm.s32 $0x0;
	vm1 =	vgt.s32 v16, s5;
	v16 =	vld [tilespmem:$0x1A60]  }
0x143: {  	v33 =	vsel vm0, $0x1, v15;
	v34 =	vsel vm1, $0x1, v15;
	vm0 =	vgt.s32 v17, s5;
	v17 =	vld [tilespmem:$0x1A70]  }
0x144: {  	v36 =	vld [tilespmem:$0x1A80];
	v21 =	vadd.s32 v34, v33;
	v35 =	vsel vm0, $0x1, v15;
	vm0 =	vgt.s32 v30, s5  }
0x145: {  	v38 =	vld [tilespmem:$0x1A90];
	v21 =	vadd.s32 v35, v21;
	v37 =	vsel vm0, $0x1, v15;
	vm0 =	vgt.s32 v31, s5  }
0x146: {  	v40 =	vld [tilespmem:$0x1AA0];
	v21 =	vadd.s32 v37, v21;
	v39 =	vsel vm0, $0x1, v15;
	vm0 =	vgt.s32 v32, s5  }
0x147: {  	v21 =	vadd.s32 v39, v21;
	v41 =	vsel vm0, $0x1, v15;
	vm0 =	vgt.s32 v16, s5;
	v16 =	vld [tilespmem:$0x1AB0]  }
0x148: {  	v21 =	vadd.s32 v41, v21;
	v42 =	vsel vm0, $0x1, v15;
	vm0 =	vgt.s32 v17, s5;
	v17 =	vld [tilespmem:$0x1AC0]  }
0x149: {  	v44 =	vld [tilespmem:$0x1AD0];
	v21 =	vadd.s32 v42, v21;
	v43 =	vsel vm0, $0x1, v15;
	vm0 =	vgt.s32 v36, s5  }
0x14a: {  	v21 =	vadd.s32 v43, v21;
	v45 =	vsel vm0, $0x1, v15;
	vm0 =	vgt.s32 v38, s5  }
0x14b: {  	v46 =	vadd.s32 v45, v21;
	v47 =	vsel vm0, $0x1, v15;
	vm0 =	vgt.s32 v40, s5  }
0x14c: {  	v19 =	vadd.s32 v47, v46;
	v20 =	vsel vm0, $0x1, v15;
	vm0 =	vgt.s32 v16, s5  }
0x14d: {  	v16 =	vadd.s32 v20, v19;
	v48 =	vsel vm0, $0x1, v15;
	vm0 =	vgt.s32 v17, s5  }
0x14e: {  	v16 =	vadd.s32 v48, v16;
	v17 =	vsel vm0, $0x1, v15;
	vm0 =	vgt.s32 v44, s5  }
0x14f: {  	v16 =	vadd.s32 v17, v16;
	v17 =	vsel vm0, $0x1, v15;
	vm0 =	vgt.s32 v14, s5  }
0x150: {  	v14 =	vadd.s32 v17, v16;
	v16 =	vsel vm0, $0x1, v15;
	vm0 =	vgt.s32 v13, s5  }
0x151: {  	v13 =	vadd.s32 v16, v14;
	v14 =	vsel vm0, $0x1, v15;
	vm0 =	vgt.s32 v12, s5  }
0x152: {  	v12 =	vadd.s32 v14, v13;
	v13 =	vsel vm0, $0x1, v15;
	vm0 =	vgt.s32 v11, s5  }
0x153: {  	v49 =	vadd.s32 v13, v12;
	v12 =	vsel vm0, $0x1, v15;
	vm0 =	vgt.s32 v10, s5  }
0x154: {  	v50 =	vadd.s32 v12, v49;
	v51 =	vsel vm0, $0x1, v15;
	vm0 =	vgt.s32 v9, s5  }
0x155: {  	v52 =	vadd.s32 v51, v50;
	v53 =	vsel vm0, $0x1, v15;
	vm0 =	vgt.s32 v8, s5  }
0x156: {  	v54 =	vadd.s32 v53, v52;
	v55 =	vsel vm0, $0x1, v15;
	vm0 =	vgt.s32 v7, s5  }
0x157: {  	v56 =	vadd.s32 v55, v54;
	v57 =	vsel vm0, $0x1, v15;
	vm0 =	vgt.s32 v6, s5  }
0x158: {  	v58 =	vadd.s32 v57, v56;
	v59 =	vsel vm0, $0x1, v15;
	vm0 =	vgt.s32 v5, s5  }
0x159: {  	v5 =	vadd.s32 v59, v58;
	v60 =	vsel vm0, $0x1, v15;
	vm0 =	vgt.s32 v4, s5;
	v4 =	vld [tilespmem:$0x1BD0]  }
0x15a: {  	v5 =	vadd.s32 v60, v5;
	v61 =	vsel vm0, $0x1, v15;
	vm0 =	vgt.s32 v3, s5;
	v3 =	vld [tilespmem:$0x1BE0]  }
0x15b: {  	v5 =	vadd.s32 v61, v5;
	v62 =	vsel vm0, $0x1, v15;
	vm0 =	vgt.s32 v2, s5;
	v2 =	vld [tilespmem:$0x1BF0]  }
0x15c: {  	v5 =	vadd.s32 v62, v5;
	v63 =	vsel vm0, $0x1, v15;
	vm0 =	vgt.s32 v1, s5  }
0x15d: {  	v1 =	vadd.s32 v63, v5;
	v5 =	vsel vm0, $0x1, v15;
	vm0 =	vgt.s32 v0, s5  }
0x15e: {  	v0 =	vadd.s32 v5, v1;
	v1 =	vsel vm0, $0x1, v15;
	vm0 =	vgt.s32 v4, s5  }
0x15f: {  	v0 =	vadd.s32 v1, v0;
	v1 =	vsel vm0, $0x1, v15;
	vm0 =	vgt.s32 v3, s5  }
0x160: {  	v0 =	vadd.s32 v1, v0;
	v1 =	vsel vm0, $0x1, v15;
	vm0 =	vgt.s32 v2, s5  }
0x161: {  	v0 =	vadd.s32 v1, v0;
	v1 =	vsel vm0, $0x1, v15  }
0x162: {  	v0 =	vadd.s32 v1, v0  }
0x163: {  	(xrf0) =	vadd.scan.msk.s32 $0xffff, v0;
	_ =	sdelay $0x5  }
0x164: {  	v0, _, _ =	vpop (xrf0)  }
0x165: {  	(v2sf) =	vpush v0, $0xF;
	_ =	sdelay $0x1  }
0x166: {  	s11 =	simm.s32 $0x0  }
0x167: {  	v2 =	vld [tilespmem:s11+$0x1A00];
	_ =	sdelay $0x3  }
0x168: {  	v0 =	vmov s5  }
0x169: {  	vm0 =	veq.s32 v2, v0  }
0x16a: {  	v3 =	vsel vm0, $0x1, v15  }
0x16b: {  	(xrf0) =	vadd.scan.msk.s32 $0xffff, v3;
	_ =	sdelay $0x4  }
0x16c: {  	s10 =	simm.s32 $0x0;
	v3 =	vsel vm0, $0xFFFFFFFF, v15;
	s30 =	spop (v2sf)  }
0x16d: {  	v3 =	vadd.s32 s10, v3;
	v4, _, _ =	vpop (xrf0);
	s8 =	ssub.s32 $0x80, s30  }
0x16e: {  	v3 =	vadd.s32 v4, v3;
	v1 =	vmov s8  }
0x16f: {  	vm1 =	vlt.s32 v3, v1  }
0x170: {  	vm2 =	vgt.s32 v2, v0;
	vm0 =	vmand vm0, vm1  }
0x171: {  	vm0 =	vmor vm2, vm0  }
0x172: {  	v2 =	vsel vm0, $0x1, v15  }
0x173: {  	v3 =	vld [tilespmem:s11+$0x1C00];
	(xrf0) =	vadd.scan.msk.s32 $0xffff, v2;
	_ =	sdelay $0x4  }
0x174: {  	v2 =	vsel vm0, $0xFFFFFFFF, v15  }
0x175: {  	(v2sf) =	vpush v4, $0xF;
	v2 =	vadd.s32 s10, v2;
	v4, _, _ =	vpop (xrf0)  }
0x176: {  	s6 =	simm.s32 $0x1E00;
	v2 =	vadd.s32 v4, v2;
	(v2sf) =	vpush v4, $0xF  }
0x177: {  	s7 =	simm.s32 $0x3E00;
	v4 =	vld.idx.msk [tilespmem:v3+s6+$0x0], $0xffff  }
0x178: {  	v5 =	vld.idx.msk [tilespmem:v3+s7+$0x0], $0xffff  }
0x179: {  	v3 =	vcvt.s32.f32 v3  }
0x17a: {  	s8 =	simm.s32 $0x5E00  }
0x17b: {  	s9 =	simm.s32 $0x5E80;
	[tilespmem:v2+s8+$0x0] =	vst.idx.msk vm0, v3  }
0x17c: {  	s5 =	simm.s32 $0x5F00;
	[tilespmem:v2+s9+$0x0] =	vst.idx.msk vm0, v4  }
0x17d: {  	s13 =	simm.s32 $0x10;
	[tilespmem:v2+s5+$0x0] =	vst.idx.msk vm0, v5  }
0x17e: {  	v2 =	vld [tilespmem:s13+$0x1A00];
	_ =	sdelay $0x4  }
0x17f: {  	vm0 =	veq.s32 v2, v0  }
0x180: {  	s31 =	spop (v2sf);
	v4 =	vsel vm0, $0x1, v15  }
0x181: {  	s12 =	simm.s32 $0x80;
	s11 =	sadd.s32 $0x0, s31;
	v3 =	vsel vm0, $0xFFFFFFFF, v15;
	(xrf0) =	vadd.scan.msk.s32 $0xffff, v4;
	s14 =	spop (v2sf)  }
.LBB2_21:
0x182: {  	p0 =	sne.s32 s12, $0x7C0  }
0x183: {  	s10 =	sadd.s32 s10, s14;
	s14 =	smov.u32 s12;
	s12 =	sadd.s32 $0x40, s12  }
0x184: {  	_ =	sdelay $0x3  }
0x185: {  	v3 =	vadd.s32 s11, v3;
	v4, _, _ =	vpop (xrf0)  }
0x186: {  	v3 =	vadd.s32 v4, v3;
	(v2sf) =	vpush v4, $0xF  }
0x187: {  	vm1 =	vlt.s32 v3, v1  }
0x188: {  	vm2 =	vgt.s32 v2, v0;
	vm0 =	vmand vm0, vm1  }
0x189: {  	vm0 =	vmor vm2, vm0  }
0x18a: {  	v2 =	vsel vm0, $0xFFFFFFFF, v15;
	v3 =	vsel vm0, $0x1, v15;
	v4 =	vld [tilespmem:s13+$0x1C00]  }
0x18b: {  	(xrf0) =	vadd.scan.msk.s32 $0xffff, v3;
	_ =	sdelay $0x5  }
0x18c: {  	v2 =	vadd.s32 s10, v2;
	v3, _, _ =	vpop (xrf0)  }
0x18d: {  	v2 =	vadd.s32 v3, v2;
	v5 =	vld.idx.msk [tilespmem:v4+s6+$0x0], $0xffff;
	(v2sf) =	vpush v3, $0xF  }
0x18e: {  	v3 =	vld.idx.msk [tilespmem:v4+s7+$0x0], $0xffff;
	_ =	sdelay $0x1  }
0x18f: {  	v4 =	vcvt.s32.f32 v4;
	s13 =	spop (v2sf)  }
0x190: {  	s11 =	sadd.s32 s11, s13  }
0x191: {  	[tilespmem:v2+s8+$0x0] =	vst.idx.msk vm0, v4  }
0x192: {  	[tilespmem:v2+s9+$0x0] =	vst.idx.msk vm0, v5  }
0x193: {  	s13 =	sshra.s32 s14, $0x2;
	[tilespmem:v2+s5+$0x0] =	vst.idx.msk vm0, v3  }
0x194: {  	v2 =	vld [tilespmem:s13+$0x1A00];
	_ =	sdelay $0x2  }
.Ltmp11:
0x195: {  	(pc) =	sbr.rel @p0 .LBB2_21-.Ltmp11, $4  }
0x196: {  	_ = 	snop  }
0x197: {  	vm0 =	veq.s32 v2, v0  }
0x198: {  	v3 =	vsel vm0, $0xFFFFFFFF, v15;
	v4 =	vsel vm0, $0x1, v15  }
0x199: {  	(xrf0) =	vadd.scan.msk.s32 $0xffff, v4;
	s14 =	spop (v2sf)  }
0x19a: {  	_ =	sdelay $0x4  }
0x19b: {  	v3 =	vadd.s32 s11, v3;
	v4, _, _ =	vpop (xrf0)  }
0x19c: {  	v3 =	vadd.s32 v4, v3  }
0x19d: {  	vm1 =	vlt.s32 v3, v1  }
0x19e: {  	vm2 =	vgt.s32 v2, v0;
	vm0 =	vmand vm0, vm1  }
0x19f: {  	vm0 =	vmor vm2, vm0  }
0x1a0: {  	v58 =	vsel vm0, $0x1, v15  }
0x1a1: {  	(xrf0) =	vadd.scan.msk.s32 $0xffff, v58;
	_ =	sdelay $0x4  }
0x1a2: {  	(v2sf) =	vpush v4, $0xF  }
0x1a3: {  	v59 =	vld [tilespmem:s13+$0x1C00];
	v60, _, _ =	vpop (xrf0)  }
0x1a4: {  	(v2sf) =	vpush v60, $0xF;
	_ =	sdelay $0x3  }
0x1a5: {  	s10 =	sadd.s32 s10, s14;
	v61 =	vsel vm0, $0xFFFFFFFF, v15  }
0x1a6: {  	v2 =	vadd.s32 s10, v61  }
0x1a7: {  	v1 =	vadd.s32 v60, v2  }
0x1a8: {  	v62 =	vld.idx.msk [tilespmem:v59+s6+$0x0], $0xffff  }
0x1a9: {  	v63 =	vld.idx.msk [tilespmem:v59+s7+$0x0], $0xffff  }
0x1aa: {  	v0 =	vcvt.s32.f32 v59;
	_ =	sdelay $0x1  }
0x1ab: {  	[tilespmem:v1+s8+$0x0] =	vst.idx.msk vm0, v0  }
0x1ac: {  	[tilespmem:v1+s9+$0x0] =	vst.idx.msk vm0, v62  }
0x1ad: {  	s28 =	simm.s32 $0x0;
	s6 =	simm.s32 $0x5E00;
	s26 =	spop (v2sf);
	[tilespmem:v1+s5+$0x0] =	vst.idx.msk vm0, v63  }
0x1ae: {  	[hbm4b:s4+s28] =	stream.linear.scatter [tilespmem:s6], [sflag:$0x1], $0x80, $0x38;
	[tilespmem:$0x5F80] =	vst v63  }
0x1af: {  	s4 =	simm.s32 $0x1;
	s29 =	spop (v2sf)  }
0x1b0: {  	_ =	swait.ge [sflag:s4], $0x80  }
0x1b1: {  	[sflag:s4] =	ssyncset.done $0x0  }
0x1b2: {  	s30 =	simm.s32 $0x5E80;
	[sflag:s4] =	ssyncadd.s32 $0xFFFFFF80  }
0x1b3: {  	[hbm4b:s2+s28] =	stream.linear.scatter [tilespmem:s30], [sflag:$0x1], $0x80, $0x38;
	[tilespmem:$0x5F80] =	vst v63  }
0x1b4: {  	_ =	swait.ge [sflag:s4], $0x80  }
0x1b5: {  	[sflag:s4] =	ssyncset.done $0x0  }
0x1b6: {  	s31 =	simm.s32 $0x5F00;
	[sflag:s4] =	ssyncadd.s32 $0xFFFFFF80  }
0x1b7: {  	[hbm4b:s3+s28] =	stream.linear.scatter [tilespmem:s31], [sflag:$0x1], $0x80, $0x38;
	[tilespmem:$0x5F80] =	vst v63  }
0x1b8: {  	_ =	swait.ge [sflag:s4], $0x80  }
0x1b9: {  	[sflag:s4] =	ssyncset.done $0x0  }
0x1ba: {  	[sflag:s4] =	ssyncadd.s32 $0xFFFFFF80  }
.LBB2_23:
0x1bb: {  	_ =	sfence.sel $0x180000  }
0x1bc: {  	[bflag:$0x0] =	sbarrier.arrive $0xFFFF  }
0x1bd: {  	p0 =	sne.s32 s1, $0x0;
	_ =	strace $0x90000047  }
0x1be: {  	s0 =	sadd.s32 @!p0 $0x100000, s0;
	[bflag:$0x2] =	sbarrier.arrive $0xFFFF  }
0x1bf: {  	[sflag:s0] =	ssyncadd.tile.s32 @!p0 $0x1;
	_ =	shalt  }
.LBB2_2:
.Ltmp12:
0x1c0: {  	(pc) =	sbr.rel .LBB2_9-.Ltmp12, $2  }
0x1c1: {  	_ =	sdelay $0x2  }
0x1c2: {  	s13 =	simm.s32 $0x0  }
.LBB2_4:
.Ltmp13:
0x1c3: {  	(pc) =	sbr.rel .LBB2_9-.Ltmp13, $2  }
0x1c4: {  	_ =	sdelay $0x2  }
0x1c5: {  	s13 =	simm.s32 $0x40  }
.LBB2_6:
.Ltmp14:
0x1c6: {  	(pc) =	sbr.rel .LBB2_9-.Ltmp14, $2  }
0x1c7: {  	_ =	sdelay $0x2  }
0x1c8: {  	s15 =	simm.s32 $0x0;
	s12 =	simm.s32 $0x40  }
.Lfunc_end2:
_tile_overlayer_lowered:
.L_overlay_start_2:
0x1c9: {  	(tag) =	ssettag $0x2  }
0x1ca: {  	s0 =	rddreg [dreg:$0x0];
	s2 =	stileid.u32  }
0x1cb: {  	s1 =	rddreg [dreg:$0x1];
	p0 =	sne.s32 s2, $0x0  }
0x1cc: {  	s3 =	rddreg [dreg:$0x2];
	[bflag:$0x3] =	sbarrier.arrive $0xFFFF;
	s2 =	simm.s32 @!p0 $0x1C01  }
0x1cd: {  	[timem:s3], [sflag:s2] =	dma.local @!p0 [hbm:s0], s1  }
0x1ce: {  	s0 =	simm.s32 @!p0 $0x1  }
0x1cf: {  	_ =	swait.ge @!p0 [sflag:s0], s1  }
0x1d0: {  	s1 =	ssub.s32 @!p0 $0x0, s1;
	[sflag:s0] =	ssyncset.done @!p0 $0x0  }
0x1d1: {  	[sflag:s0] =	ssyncadd.s32 @!p0 s1  }
0x1d2: {  	[bflag:$0x3] =	sbarrier.arrive $0xFFFF  }
0x1d3: {  	_ =	shalt  }

</sc_bundles>
